<compile_context>
chip_gen: v7x
topology: tpu7x:2x2x1
jax: 0.10.2.dev20260603
libtpu: 0.0.44.dev20260713+nightly
codegen_flags: <defaults>
</compile_context>

<pallas_src>
import functools

import jax
import jax.numpy as jnp
from jax import lax
from jax.experimental import pallas as pl
from jax.experimental.pallas import tpu as pltpu
from jax.experimental.pallas import tpu_sc as plsc

_NC = 2
_NS = 16
_NW = _NC * _NS

_G = 128
_GS = 64
_KT = 30
_KS = 40
_NBT = 3
_NBS = 4


def kernel(tokens, W_E):
    B, S = tokens.shape
    V, D = W_E.shape
    N = B * S
    ng = N // (_NW * _G)
    assert ng * _G == _KT * _G + _KS * _GS
    nit = _KT // _NBT
    assert _KT == 3 * nit and _KS == 4 * nit

    idx3 = tokens.reshape(_NW, ng, _G).astype(jnp.int32)
    mesh = plsc.VectorSubcoreMesh(core_axis_name="c", subcore_axis_name="s")

    @functools.partial(
        pl.kernel,
        out_type=jax.ShapeDtypeStruct((N, D), jnp.float32),
        mesh=mesh,
        scratch_types=[
            pltpu.VMEM((ng, _G), jnp.int32),
            pltpu.VMEM((_NBT, _G, D), jnp.float32),
            pltpu.VMEM((_NBS, _GS, D), jnp.float32),
            pltpu.VMEM_SHARED((_NS, _NBS, _GS, D), jnp.float32),
            [pltpu.SemaphoreType.DMA] * _NBT,
            [pltpu.SemaphoreType.DMA] * _NBT,
            [pltpu.SemaphoreType.DMA] * _NBS,
            [pltpu.SemaphoreType.DMA] * _NBS,
            [pltpu.SemaphoreType.DMA] * _NBS,
        ],
    )
    def emb(idx_hbm, table_hbm, out_hbm, idx_v, trows, srows, slots,
            tgs, tws, sgs, sts, sws):
        wid = lax.axis_index("s") * _NC + lax.axis_index("c")
        sid = lax.axis_index("s")
        base = wid * (ng * _G)
        sbase = base + _KT * _G
        pltpu.sync_copy(idx_hbm.at[wid], idx_v)

        def tg(i, b):
            return pltpu.make_async_copy(
                table_hbm.at[idx_v.at[i]], trows.at[b], tgs[b])

        def tw(i, b):
            return pltpu.make_async_copy(
                trows.at[b], out_hbm.at[pl.ds(base + i * _G, _G)], tws[b])

        def sidx(j, h):
            return idx_v.at[_KT + j // 2, pl.ds(h * _GS, _GS)]

        def sg(j, h, b):
            return pltpu.make_async_copy(
                table_hbm.at[sidx(j, h)], srows.at[b], sgs[b])

        def st(b):
            return pltpu.make_async_copy(srows.at[b], slots.at[sid, b], sts[b])

        def sw(j, b):
            return pltpu.make_async_copy(
                slots.at[sid, b],
                out_hbm.at[pl.ds(sbase + j * _GS, _GS)], sws[b])

        def tvisit(i, b):
            tg(i, b).wait()
            tw(i, b).start()

            @pl.when(i >= 1)
            def _():
                tw(i - 1, (b - 1) % _NBT).wait()

            @pl.when(i + 2 < _KT)
            def _():
                tg(i + 2, (b + 2) % _NBT).start()

        def svisit(j, q):
            sg(j, q % 2, q).wait()

            @pl.when(j >= 4)
            def _():
                sw(j - 4, q).wait()

            st(q).start()

            @pl.when(j >= 1)
            def _():
                st((q - 1) % _NBS).wait()
                sw(j - 1, (q - 1) % _NBS).start()

            @pl.when(j + 3 < _KS)
            def _():
                sg(j + 3, (q + 3) % 2, (q + 3) % _NBS).start()

        for b in range(2):
            tg(b, b).start()
        for b in range(3):
            sg(b, b % 2, b).start()

        def body(u, carry):
            for v in range(3):
                tvisit(3 * u + v, v)
            for q in range(4):
                svisit(4 * u + q, q)
            return carry

        lax.fori_loop(0, nit, body, 0)

        tw(_KT - 1, (_KT - 1) % _NBT).wait()
        st((_KS - 1) % _NBS).wait()
        sw(_KS - 1, (_KS - 1) % _NBS).start()
        for j in range(_KS - 4, _KS):
            sw(j, j % _NBS).wait()

    out = emb(idx3, W_E)
    return out.reshape(B, S, D)

# --- scband reference (transcript-rebuilt; emitter-appended) ---
"""Pipeline reference for scband-embed-69020124446782 (READ-ONLY COPY).

The authoritative reference and input builder live on the scoring server;
editing this copy changes nothing except your own understanding.
"""

import jax, jax.numpy as jnp
import numpy as np

D_VOCAB = 1000000
D_MODEL = 128
INIT_STD = 0.02


def setup_inputs(seed: int = 0) -> dict:
    key = jax.random.key(seed)
    k_tok, k_w = jax.random.split(key)
    tokens = jax.random.randint(k_tok, (1024, 200), 0, D_VOCAB, dtype=jnp.int64 if jax.config.jax_enable_x64 else jnp.int32)
    W_E = INIT_STD * jax.random.normal(k_w, (D_VOCAB, D_MODEL), dtype=jnp.float32)
    return {"tokens": tokens, "W_E": W_E}


def reference(tokens, W_E):
    # Faithful translation of Embed.forward: self.W_E[tokens]
    return jnp.take(W_E, tokens, axis=0)

if __name__ == "__main__":
    import jax
    _d = setup_inputs()
    print(jax.jit(kernel)(*tuple(_d.values())))

</pallas_src>

<mosaic_0001>
#map = affine_map<(d0, d1) -> (0, 0, 0)>
#map1 = affine_map<(d0, d1) -> (0, 0)>
module attributes {stable_mosaic.version = 14 : i64} {
  func.func @emb(%arg0: i32, %arg1: i32, %arg2: memref<32x50x128xi32, #tpu.memory_space<hbm>>, %arg3: memref<1000000x128xf32, #tpu.memory_space<hbm>>, %arg4: memref<204800x128xf32, #tpu.memory_space<hbm>>, %arg5: memref<50x128xi32, #tpu.memory_space<vmem>>, %arg6: memref<3x128x128xf32, #tpu.memory_space<vmem>>, %arg7: memref<4x64x128xf32, #tpu.memory_space<vmem>>, %arg8: memref<16x4x64x128xf32, #tpu.memory_space<vmem_shared>>, %arg9: memref<!tpu.dma_semaphore, #tpu.memory_space<semaphore_mem>>, %arg10: memref<!tpu.dma_semaphore, #tpu.memory_space<semaphore_mem>>, %arg11: memref<!tpu.dma_semaphore, #tpu.memory_space<semaphore_mem>>, %arg12: memref<!tpu.dma_semaphore, #tpu.memory_space<semaphore_mem>>, %arg13: memref<!tpu.dma_semaphore, #tpu.memory_space<semaphore_mem>>, %arg14: memref<!tpu.dma_semaphore, #tpu.memory_space<semaphore_mem>>, %arg15: memref<!tpu.dma_semaphore, #tpu.memory_space<semaphore_mem>>, %arg16: memref<!tpu.dma_semaphore, #tpu.memory_space<semaphore_mem>>, %arg17: memref<!tpu.dma_semaphore, #tpu.memory_space<semaphore_mem>>, %arg18: memref<!tpu.dma_semaphore, #tpu.memory_space<semaphore_mem>>, %arg19: memref<!tpu.dma_semaphore, #tpu.memory_space<semaphore_mem>>, %arg20: memref<!tpu.dma_semaphore, #tpu.memory_space<semaphore_mem>>, %arg21: memref<!tpu.dma_semaphore, #tpu.memory_space<semaphore_mem>>, %arg22: memref<!tpu.dma_semaphore, #tpu.memory_space<semaphore_mem>>, %arg23: memref<!tpu.dma_semaphore, #tpu.memory_space<semaphore_mem>>, %arg24: memref<!tpu.dma_semaphore, #tpu.memory_space<semaphore_mem>>, %arg25: memref<!tpu.dma_semaphore, #tpu.memory_space<semaphore_mem>>, %arg26: memref<!tpu.dma_semaphore, #tpu.memory_space<semaphore_mem>>) attributes {dimension_semantics = [#tpu.dimension_semantics<core_parallel>, #tpu.dimension_semantics<subcore_parallel>], iteration_bounds = array<i64: 2, 16>, scalar_prefetch = 0 : i64, scratch_operands = 22 : i64, tpu.core_type = #tpu.core_type<sc_vector_subcore>, window_params = [{transform_indices = #map}, {transform_indices = #map1}, {transform_indices = #map1}]} {
    %mul3A = arith.constant 2 : i32
    %mul3A_0 = arith.muli %arg1, %mul3A : i32
    %add3A = arith.addi %mul3A_0, %arg0 : i32
    %mul3A_1 = arith.constant 6400 : i32
    %mul3A_2 = arith.muli %add3A, %mul3A_1 : i32
    %add3A_3 = arith.constant 3840 : i32
    %add3A_4 = arith.addi %mul3A_2, %add3A_3 : i32
    "tpu.region"() ({
      %run_scoped3A = tpu.sem_alloc : memref<!tpu.dma_semaphore, #tpu.memory_space<semaphore_mem>>
      %dma_start3A_146 = arith.constant 0 : i32
      %dma_start3A_147 = arith.constant 0 : i32
      %dma_start3A_148 = tpu.memref_slice %arg2[%add3A, %dma_start3A_146, %dma_start3A_147] : memref<32x50x128xi32, #tpu.memory_space<hbm>> -> memref<1x50x128xi32, #tpu.memory_space<hbm>>
      %dma_start3A_149 = tpu.memref_squeeze %dma_start3A_148 : memref<1x50x128xi32, #tpu.memory_space<hbm>> -> memref<50x128xi32, #tpu.memory_space<hbm>>
      %dma_start3A_150 = arith.constant 0 : i32
      %dma_start3A_151 = arith.constant 0 : i32
      %dma_start3A_152 = tpu.memref_slice %arg2[%add3A, %dma_start3A_150, %dma_start3A_151] : memref<32x50x128xi32, #tpu.memory_space<hbm>> -> memref<1x50x128xi32, #tpu.memory_space<hbm>>
      %dma_start3A_153 = tpu.memref_squeeze %dma_start3A_152 : memref<1x50x128xi32, #tpu.memory_space<hbm>> -> memref<50x128xi32, #tpu.memory_space<hbm>>
      tpu.enqueue_dma source(%dma_start3A_153 : memref<50x128xi32, #tpu.memory_space<hbm>>) target(%arg5 : memref<50x128xi32, #tpu.memory_space<vmem>>) target_semaphore(%run_scoped3A : memref<!tpu.dma_semaphore, #tpu.memory_space<semaphore_mem>>)
      %dma_wait3A_154 = arith.constant 0 : i32
      %dma_wait3A_155 = arith.constant 0 : i32
      %dma_wait3A_156 = tpu.memref_slice %arg2[%add3A, %dma_wait3A_154, %dma_wait3A_155] : memref<32x50x128xi32, #tpu.memory_space<hbm>> -> memref<1x50x128xi32, #tpu.memory_space<hbm>>
      %dma_wait3A_157 = tpu.memref_squeeze %dma_wait3A_156 : memref<1x50x128xi32, #tpu.memory_space<hbm>> -> memref<50x128xi32, #tpu.memory_space<hbm>>
      %dma_wait3A_158 = arith.constant 0 : i32
      %dma_wait3A_159 = arith.constant 0 : i32
      %dma_wait3A_160 = tpu.memref_slice %arg2[%add3A, %dma_wait3A_158, %dma_wait3A_159] : memref<32x50x128xi32, #tpu.memory_space<hbm>> -> memref<1x50x128xi32, #tpu.memory_space<hbm>>
      %dma_wait3A_161 = tpu.memref_squeeze %dma_wait3A_160 : memref<1x50x128xi32, #tpu.memory_space<hbm>> -> memref<50x128xi32, #tpu.memory_space<hbm>>
      tpu.wait_dma2 semaphore(%run_scoped3A : memref<!tpu.dma_semaphore, #tpu.memory_space<semaphore_mem>>) src(%dma_wait3A_161 : memref<50x128xi32, #tpu.memory_space<hbm>>) dst(%arg5 : memref<50x128xi32, #tpu.memory_space<vmem>>)
      tpu.yield
    }) : () -> ()
    %dma_start3A = arith.constant 0 : i32
    %dma_start3A_5 = arith.constant 0 : i32
    %dma_start3A_6 = arith.constant 0 : i32
    %dma_start3A_7 = arith.constant 0 : i32
    %dma_start3A_8 = tpu.memref_slice %arg6[%dma_start3A_5, %dma_start3A_6, %dma_start3A_7] : memref<3x128x128xf32, #tpu.memory_space<vmem>> -> memref<1x128x128xf32, #tpu.memory_space<vmem>>
    %dma_start3A_9 = tpu.memref_squeeze %dma_start3A_8 : memref<1x128x128xf32, #tpu.memory_space<vmem>> -> memref<128x128xf32, #tpu.memory_space<vmem>>
    %dma_start3A_10 = arith.constant 0 : i32
    %dma_start3A_11 = tpu.memref_slice %arg5[%dma_start3A, %dma_start3A_10] : memref<50x128xi32, #tpu.memory_space<vmem>> -> memref<1x128xi32, #tpu.memory_space<vmem>>
    %dma_start3A_12 = tpu.memref_squeeze %dma_start3A_11 : memref<1x128xi32, #tpu.memory_space<vmem>> -> memref<128xi32, #tpu.memory_space<vmem>>
    %dma_start3A_13 = arith.constant 0 : i32
    %dma_start3A_14 = arith.constant 0 : i32
    %dma_start3A_15 = tpu.memref_slice %arg3[%dma_start3A_13, %dma_start3A_14] : memref<1000000x128xf32, #tpu.memory_space<hbm>> -> memref<1000000x128xf32, #tpu.memory_space<hbm>>
    tpu.enqueue_indirect_dma source(%dma_start3A_15 : memref<1000000x128xf32, #tpu.memory_space<hbm>>) target(%dma_start3A_9 : memref<128x128xf32, #tpu.memory_space<vmem>>) offsets(%dma_start3A_12 : memref<128xi32, #tpu.memory_space<vmem>>) semaphore(%arg9 : memref<!tpu.dma_semaphore, #tpu.memory_space<semaphore_mem>>)
    %dma_start3A_16 = arith.constant 1 : i32
    %dma_start3A_17 = arith.constant 1 : i32
    %dma_start3A_18 = arith.constant 0 : i32
    %dma_start3A_19 = arith.constant 0 : i32
    %dma_start3A_20 = tpu.memref_slice %arg6[%dma_start3A_17, %dma_start3A_18, %dma_start3A_19] : memref<3x128x128xf32, #tpu.memory_space<vmem>> -> memref<1x128x128xf32, #tpu.memory_space<vmem>>
    %dma_start3A_21 = tpu.memref_squeeze %dma_start3A_20 : memref<1x128x128xf32, #tpu.memory_space<vmem>> -> memref<128x128xf32, #tpu.memory_space<vmem>>
    %dma_start3A_22 = arith.constant 0 : i32
    %dma_start3A_23 = tpu.memref_slice %arg5[%dma_start3A_16, %dma_start3A_22] : memref<50x128xi32, #tpu.memory_space<vmem>> -> memref<1x128xi32, #tpu.memory_space<vmem>>
    %dma_start3A_24 = tpu.memref_squeeze %dma_start3A_23 : memref<1x128xi32, #tpu.memory_space<vmem>> -> memref<128xi32, #tpu.memory_space<vmem>>
    %dma_start3A_25 = arith.constant 0 : i32
    %dma_start3A_26 = arith.constant 0 : i32
    %dma_start3A_27 = tpu.memref_slice %arg3[%dma_start3A_25, %dma_start3A_26] : memref<1000000x128xf32, #tpu.memory_space<hbm>> -> memref<1000000x128xf32, #tpu.memory_space<hbm>>
    tpu.enqueue_indirect_dma source(%dma_start3A_27 : memref<1000000x128xf32, #tpu.memory_space<hbm>>) target(%dma_start3A_21 : memref<128x128xf32, #tpu.memory_space<vmem>>) offsets(%dma_start3A_24 : memref<128xi32, #tpu.memory_space<vmem>>) semaphore(%arg10 : memref<!tpu.dma_semaphore, #tpu.memory_space<semaphore_mem>>)
    %dma_start3A_28 = arith.constant 30 : i32
    %dma_start3A_29 = arith.constant 0 : i32
    %dma_start3A_30 = arith.constant 0 : i32
    %dma_start3A_31 = arith.constant 0 : i32
    %dma_start3A_32 = tpu.memref_slice %arg7[%dma_start3A_29, %dma_start3A_30, %dma_start3A_31] : memref<4x64x128xf32, #tpu.memory_space<vmem>> -> memref<1x64x128xf32, #tpu.memory_space<vmem>>
    %dma_start3A_33 = tpu.memref_squeeze %dma_start3A_32 : memref<1x64x128xf32, #tpu.memory_space<vmem>> -> memref<64x128xf32, #tpu.memory_space<vmem>>
    %dma_start3A_34 = arith.constant 0 : i32
    %dma_start3A_35 = tpu.memref_slice %arg5[%dma_start3A_28, %dma_start3A_34] : memref<50x128xi32, #tpu.memory_space<vmem>> -> memref<1x64xi32, #tpu.memory_space<vmem>>
    %dma_start3A_36 = tpu.memref_squeeze %dma_start3A_35 : memref<1x64xi32, #tpu.memory_space<vmem>> -> memref<64xi32, #tpu.memory_space<vmem>>
    %dma_start3A_37 = arith.constant 0 : i32
    %dma_start3A_38 = arith.constant 0 : i32
    %dma_start3A_39 = tpu.memref_slice %arg3[%dma_start3A_37, %dma_start3A_38] : memref<1000000x128xf32, #tpu.memory_space<hbm>> -> memref<1000000x128xf32, #tpu.memory_space<hbm>>
    tpu.enqueue_indirect_dma source(%dma_start3A_39 : memref<1000000x128xf32, #tpu.memory_space<hbm>>) target(%dma_start3A_33 : memref<64x128xf32, #tpu.memory_space<vmem>>) offsets(%dma_start3A_36 : memref<64xi32, #tpu.memory_space<vmem>>) semaphore(%arg15 : memref<!tpu.dma_semaphore, #tpu.memory_space<semaphore_mem>>)
    %dma_start3A_40 = arith.constant 30 : i32
    %dma_start3A_41 = arith.constant 1 : i32
    %dma_start3A_42 = arith.constant 0 : i32
    %dma_start3A_43 = arith.constant 0 : i32
    %dma_start3A_44 = tpu.memref_slice %arg7[%dma_start3A_41, %dma_start3A_42, %dma_start3A_43] : memref<4x64x128xf32, #tpu.memory_space<vmem>> -> memref<1x64x128xf32, #tpu.memory_space<vmem>>
    %dma_start3A_45 = tpu.memref_squeeze %dma_start3A_44 : memref<1x64x128xf32, #tpu.memory_space<vmem>> -> memref<64x128xf32, #tpu.memory_space<vmem>>
    %dma_start3A_46 = arith.constant 64 : i32
    %dma_start3A_47 = tpu.memref_slice %arg5[%dma_start3A_40, %dma_start3A_46] : memref<50x128xi32, #tpu.memory_space<vmem>> -> memref<1x64xi32, #tpu.memory_space<vmem>>
    %dma_start3A_48 = tpu.memref_squeeze %dma_start3A_47 : memref<1x64xi32, #tpu.memory_space<vmem>> -> memref<64xi32, #tpu.memory_space<vmem>>
    %dma_start3A_49 = arith.constant 0 : i32
    %dma_start3A_50 = arith.constant 0 : i32
    %dma_start3A_51 = tpu.memref_slice %arg3[%dma_start3A_49, %dma_start3A_50] : memref<1000000x128xf32, #tpu.memory_space<hbm>> -> memref<1000000x128xf32, #tpu.memory_space<hbm>>
    tpu.enqueue_indirect_dma source(%dma_start3A_51 : memref<1000000x128xf32, #tpu.memory_space<hbm>>) target(%dma_start3A_45 : memref<64x128xf32, #tpu.memory_space<vmem>>) offsets(%dma_start3A_48 : memref<64xi32, #tpu.memory_space<vmem>>) semaphore(%arg16 : memref<!tpu.dma_semaphore, #tpu.memory_space<semaphore_mem>>)
    %dma_start3A_52 = arith.constant 31 : i32
    %dma_start3A_53 = arith.constant 2 : i32
    %dma_start3A_54 = arith.constant 0 : i32
    %dma_start3A_55 = arith.constant 0 : i32
    %dma_start3A_56 = tpu.memref_slice %arg7[%dma_start3A_53, %dma_start3A_54, %dma_start3A_55] : memref<4x64x128xf32, #tpu.memory_space<vmem>> -> memref<1x64x128xf32, #tpu.memory_space<vmem>>
    %dma_start3A_57 = tpu.memref_squeeze %dma_start3A_56 : memref<1x64x128xf32, #tpu.memory_space<vmem>> -> memref<64x128xf32, #tpu.memory_space<vmem>>
    %dma_start3A_58 = arith.constant 0 : i32
    %dma_start3A_59 = tpu.memref_slice %arg5[%dma_start3A_52, %dma_start3A_58] : memref<50x128xi32, #tpu.memory_space<vmem>> -> memref<1x64xi32, #tpu.memory_space<vmem>>
    %dma_start3A_60 = tpu.memref_squeeze %dma_start3A_59 : memref<1x64xi32, #tpu.memory_space<vmem>> -> memref<64xi32, #tpu.memory_space<vmem>>
    %dma_start3A_61 = arith.constant 0 : i32
    %dma_start3A_62 = arith.constant 0 : i32
    %dma_start3A_63 = tpu.memref_slice %arg3[%dma_start3A_61, %dma_start3A_62] : memref<1000000x128xf32, #tpu.memory_space<hbm>> -> memref<1000000x128xf32, #tpu.memory_space<hbm>>
    tpu.enqueue_indirect_dma source(%dma_start3A_63 : memref<1000000x128xf32, #tpu.memory_space<hbm>>) target(%dma_start3A_57 : memref<64x128xf32, #tpu.memory_space<vmem>>) offsets(%dma_start3A_60 : memref<64xi32, #tpu.memory_space<vmem>>) semaphore(%arg17 : memref<!tpu.dma_semaphore, #tpu.memory_space<semaphore_mem>>)
    %scan3A = arith.constant 0 : i32
    %scan3A_64 = arith.constant 0 : i32
    %scan3A_65 = arith.constant 10 : i32
    %scan3A_66 = arith.addi %scan3A_64, %scan3A_65 : i32
    %scan3A_67 = arith.constant 1 : i32
    scf.for %scan3A_146 = %scan3A_64 to %scan3A_66 step %scan3A_67  : i32 {
      %mul3A_147 = arith.constant 3 : i32
      %mul3A_148 = arith.muli %mul3A_147, %scan3A_146 : i32
      %add3A_149 = arith.constant 0 : i32
      %add3A_150 = arith.addi %mul3A_148, %add3A_149 : i32
      %dma_wait3A_151 = arith.constant 0 : i32
      %dma_wait3A_152 = arith.constant 0 : i32
      %dma_wait3A_153 = arith.constant 0 : i32
      %dma_wait3A_154 = tpu.memref_slice %arg6[%dma_wait3A_151, %dma_wait3A_152, %dma_wait3A_153] : memref<3x128x128xf32, #tpu.memory_space<vmem>> -> memref<1x128x128xf32, #tpu.memory_space<vmem>>
      %dma_wait3A_155 = tpu.memref_squeeze %dma_wait3A_154 : memref<1x128x128xf32, #tpu.memory_space<vmem>> -> memref<128x128xf32, #tpu.memory_space<vmem>>
      %dma_wait3A_156 = arith.constant 0 : i32
      %dma_wait3A_157 = tpu.memref_slice %arg5[%add3A_150, %dma_wait3A_156] : memref<50x128xi32, #tpu.memory_space<vmem>> -> memref<1x128xi32, #tpu.memory_space<vmem>>
      %dma_wait3A_158 = tpu.memref_squeeze %dma_wait3A_157 : memref<1x128xi32, #tpu.memory_space<vmem>> -> memref<128xi32, #tpu.memory_space<vmem>>
      %dma_wait3A_159 = arith.constant 0 : i32
      %dma_wait3A_160 = arith.constant 0 : i32
      %dma_wait3A_161 = tpu.memref_slice %arg3[%dma_wait3A_159, %dma_wait3A_160] : memref<1000000x128xf32, #tpu.memory_space<hbm>> -> memref<1000000x128xf32, #tpu.memory_space<hbm>>
      tpu.wait_indirect_dma semaphore(%arg9 : memref<!tpu.dma_semaphore, #tpu.memory_space<semaphore_mem>>) src(%dma_wait3A_161 : memref<1000000x128xf32, #tpu.memory_space<hbm>>) dst(%dma_wait3A_155 : memref<128x128xf32, #tpu.memory_space<vmem>>)
      %mul3A_162 = arith.constant 128 : i32
      %mul3A_163 = arith.muli %add3A_150, %mul3A_162 : i32
      %add3A_164 = arith.addi %mul3A_2, %mul3A_163 : i32
      %dma_start3A_165 = arith.constant 0 : i32
      %dma_start3A_166 = arith.constant 0 : i32
      %dma_start3A_167 = arith.constant 0 : i32
      %dma_start3A_168 = tpu.memref_slice %arg6[%dma_start3A_165, %dma_start3A_166, %dma_start3A_167] : memref<3x128x128xf32, #tpu.memory_space<vmem>> -> memref<1x128x128xf32, #tpu.memory_space<vmem>>
      %dma_start3A_169 = tpu.memref_squeeze %dma_start3A_168 : memref<1x128x128xf32, #tpu.memory_space<vmem>> -> memref<128x128xf32, #tpu.memory_space<vmem>>
      %dma_start3A_170 = arith.constant 0 : i32
      %dma_start3A_171 = tpu.memref_slice %arg4[%add3A_164, %dma_start3A_170] : memref<204800x128xf32, #tpu.memory_space<hbm>> -> memref<128x128xf32, #tpu.memory_space<hbm>>
      %dma_start3A_172 = arith.constant 0 : i32
      %dma_start3A_173 = tpu.memref_slice %arg4[%add3A_164, %dma_start3A_172] : memref<204800x128xf32, #tpu.memory_space<hbm>> -> memref<128x128xf32, #tpu.memory_space<hbm>>
      %dma_start3A_174 = arith.constant 0 : i32
      %dma_start3A_175 = arith.constant 0 : i32
      %dma_start3A_176 = tpu.memref_slice %arg6[%dma_start3A_165, %dma_start3A_174, %dma_start3A_175] : memref<3x128x128xf32, #tpu.memory_space<vmem>> -> memref<1x128x128xf32, #tpu.memory_space<vmem>>
      %dma_start3A_177 = tpu.memref_squeeze %dma_start3A_176 : memref<1x128x128xf32, #tpu.memory_space<vmem>> -> memref<128x128xf32, #tpu.memory_space<vmem>>
      tpu.enqueue_dma source(%dma_start3A_177 : memref<128x128xf32, #tpu.memory_space<vmem>>) target(%dma_start3A_173 : memref<128x128xf32, #tpu.memory_space<hbm>>) target_semaphore(%arg12 : memref<!tpu.dma_semaphore, #tpu.memory_space<semaphore_mem>>)
      %ge3A = arith.constant 1 : i32
      %ge3A_178 = arith.cmpi sge, %add3A_150, %ge3A : i32
      %convert_element_type3A = arith.extui %ge3A_178 : i1 to i32
      %cond3A = arith.constant 0 : i32
      %cond3A_179 = arith.cmpi ne, %convert_element_type3A, %cond3A : i32
      scf.if %cond3A_179 {
        %sub3A_568 = arith.constant 1 : i32
        %sub3A_569 = arith.subi %add3A_150, %sub3A_568 : i32
        %mul3A_570 = arith.constant 128 : i32
        %mul3A_571 = arith.muli %sub3A_569, %mul3A_570 : i32
        %add3A_572 = arith.addi %mul3A_2, %mul3A_571 : i32
        %dma_wait3A_573 = arith.constant 2 : i32
        %dma_wait3A_574 = arith.constant 0 : i32
        %dma_wait3A_575 = arith.constant 0 : i32
        %dma_wait3A_576 = tpu.memref_slice %arg6[%dma_wait3A_573, %dma_wait3A_574, %dma_wait3A_575] : memref<3x128x128xf32, #tpu.memory_space<vmem>> -> memref<1x128x128xf32, #tpu.memory_space<vmem>>
        %dma_wait3A_577 = tpu.memref_squeeze %dma_wait3A_576 : memref<1x128x128xf32, #tpu.memory_space<vmem>> -> memref<128x128xf32, #tpu.memory_space<vmem>>
        %dma_wait3A_578 = arith.constant 0 : i32
        %dma_wait3A_579 = tpu.memref_slice %arg4[%add3A_572, %dma_wait3A_578] : memref<204800x128xf32, #tpu.memory_space<hbm>> -> memref<128x128xf32, #tpu.memory_space<hbm>>
        %dma_wait3A_580 = arith.constant 0 : i32
        %dma_wait3A_581 = tpu.memref_slice %arg4[%add3A_572, %dma_wait3A_580] : memref<204800x128xf32, #tpu.memory_space<hbm>> -> memref<128x128xf32, #tpu.memory_space<hbm>>
        %dma_wait3A_582 = arith.constant 0 : i32
        %dma_wait3A_583 = arith.constant 0 : i32
        %dma_wait3A_584 = tpu.memref_slice %arg6[%dma_wait3A_573, %dma_wait3A_582, %dma_wait3A_583] : memref<3x128x128xf32, #tpu.memory_space<vmem>> -> memref<1x128x128xf32, #tpu.memory_space<vmem>>
        %dma_wait3A_585 = tpu.memref_squeeze %dma_wait3A_584 : memref<1x128x128xf32, #tpu.memory_space<vmem>> -> memref<128x128xf32, #tpu.memory_space<vmem>>
        tpu.wait_dma2 semaphore(%arg14 : memref<!tpu.dma_semaphore, #tpu.memory_space<semaphore_mem>>) src(%dma_wait3A_585 : memref<128x128xf32, #tpu.memory_space<vmem>>) dst(%dma_wait3A_581 : memref<128x128xf32, #tpu.memory_space<hbm>>)
      } else {
      }
      %add3A_180 = arith.constant 2 : i32
      %add3A_181 = arith.addi %add3A_150, %add3A_180 : i32
      %lt3A = arith.constant 30 : i32
      %lt3A_182 = arith.cmpi slt, %add3A_181, %lt3A : i32
      %convert_element_type3A_183 = arith.extui %lt3A_182 : i1 to i32
      %cond3A_184 = arith.constant 0 : i32
      %cond3A_185 = arith.cmpi ne, %convert_element_type3A_183, %cond3A_184 : i32
      scf.if %cond3A_185 {
        %add3A_568 = arith.constant 2 : i32
        %add3A_569 = arith.addi %add3A_150, %add3A_568 : i32
        %dma_start3A_570 = arith.constant 2 : i32
        %dma_start3A_571 = arith.constant 0 : i32
        %dma_start3A_572 = arith.constant 0 : i32
        %dma_start3A_573 = tpu.memref_slice %arg6[%dma_start3A_570, %dma_start3A_571, %dma_start3A_572] : memref<3x128x128xf32, #tpu.memory_space<vmem>> -> memref<1x128x128xf32, #tpu.memory_space<vmem>>
        %dma_start3A_574 = tpu.memref_squeeze %dma_start3A_573 : memref<1x128x128xf32, #tpu.memory_space<vmem>> -> memref<128x128xf32, #tpu.memory_space<vmem>>
        %dma_start3A_575 = arith.constant 0 : i32
        %dma_start3A_576 = tpu.memref_slice %arg5[%add3A_569, %dma_start3A_575] : memref<50x128xi32, #tpu.memory_space<vmem>> -> memref<1x128xi32, #tpu.memory_space<vmem>>
        %dma_start3A_577 = tpu.memref_squeeze %dma_start3A_576 : memref<1x128xi32, #tpu.memory_space<vmem>> -> memref<128xi32, #tpu.memory_space<vmem>>
        %dma_start3A_578 = arith.constant 0 : i32
        %dma_start3A_579 = arith.constant 0 : i32
        %dma_start3A_580 = tpu.memref_slice %arg3[%dma_start3A_578, %dma_start3A_579] : memref<1000000x128xf32, #tpu.memory_space<hbm>> -> memref<1000000x128xf32, #tpu.memory_space<hbm>>
        tpu.enqueue_indirect_dma source(%dma_start3A_580 : memref<1000000x128xf32, #tpu.memory_space<hbm>>) target(%dma_start3A_574 : memref<128x128xf32, #tpu.memory_space<vmem>>) offsets(%dma_start3A_577 : memref<128xi32, #tpu.memory_space<vmem>>) semaphore(%arg11 : memref<!tpu.dma_semaphore, #tpu.memory_space<semaphore_mem>>)
      } else {
      }
      %mul3A_186 = arith.constant 3 : i32
      %mul3A_187 = arith.muli %mul3A_186, %scan3A_146 : i32
      %add3A_188 = arith.constant 1 : i32
      %add3A_189 = arith.addi %mul3A_187, %add3A_188 : i32
      %dma_wait3A_190 = arith.constant 1 : i32
      %dma_wait3A_191 = arith.constant 0 : i32
      %dma_wait3A_192 = arith.constant 0 : i32
      %dma_wait3A_193 = tpu.memref_slice %arg6[%dma_wait3A_190, %dma_wait3A_191, %dma_wait3A_192] : memref<3x128x128xf32, #tpu.memory_space<vmem>> -> memref<1x128x128xf32, #tpu.memory_space<vmem>>
      %dma_wait3A_194 = tpu.memref_squeeze %dma_wait3A_193 : memref<1x128x128xf32, #tpu.memory_space<vmem>> -> memref<128x128xf32, #tpu.memory_space<vmem>>
      %dma_wait3A_195 = arith.constant 0 : i32
      %dma_wait3A_196 = tpu.memref_slice %arg5[%add3A_189, %dma_wait3A_195] : memref<50x128xi32, #tpu.memory_space<vmem>> -> memref<1x128xi32, #tpu.memory_space<vmem>>
      %dma_wait3A_197 = tpu.memref_squeeze %dma_wait3A_196 : memref<1x128xi32, #tpu.memory_space<vmem>> -> memref<128xi32, #tpu.memory_space<vmem>>
      %dma_wait3A_198 = arith.constant 0 : i32
      %dma_wait3A_199 = arith.constant 0 : i32
      %dma_wait3A_200 = tpu.memref_slice %arg3[%dma_wait3A_198, %dma_wait3A_199] : memref<1000000x128xf32, #tpu.memory_space<hbm>> -> memref<1000000x128xf32, #tpu.memory_space<hbm>>
      tpu.wait_indirect_dma semaphore(%arg10 : memref<!tpu.dma_semaphore, #tpu.memory_space<semaphore_mem>>) src(%dma_wait3A_200 : memref<1000000x128xf32, #tpu.memory_space<hbm>>) dst(%dma_wait3A_194 : memref<128x128xf32, #tpu.memory_space<vmem>>)
      %mul3A_201 = arith.constant 128 : i32
      %mul3A_202 = arith.muli %add3A_189, %mul3A_201 : i32
      %add3A_203 = arith.addi %mul3A_2, %mul3A_202 : i32
      %dma_start3A_204 = arith.constant 1 : i32
      %dma_start3A_205 = arith.constant 0 : i32
      %dma_start3A_206 = arith.constant 0 : i32
      %dma_start3A_207 = tpu.memref_slice %arg6[%dma_start3A_204, %dma_start3A_205, %dma_start3A_206] : memref<3x128x128xf32, #tpu.memory_space<vmem>> -> memref<1x128x128xf32, #tpu.memory_space<vmem>>
      %dma_start3A_208 = tpu.memref_squeeze %dma_start3A_207 : memref<1x128x128xf32, #tpu.memory_space<vmem>> -> memref<128x128xf32, #tpu.memory_space<vmem>>
      %dma_start3A_209 = arith.constant 0 : i32
      %dma_start3A_210 = tpu.memref_slice %arg4[%add3A_203, %dma_start3A_209] : memref<204800x128xf32, #tpu.memory_space<hbm>> -> memref<128x128xf32, #tpu.memory_space<hbm>>
      %dma_start3A_211 = arith.constant 0 : i32
      %dma_start3A_212 = tpu.memref_slice %arg4[%add3A_203, %dma_start3A_211] : memref<204800x128xf32, #tpu.memory_space<hbm>> -> memref<128x128xf32, #tpu.memory_space<hbm>>
      %dma_start3A_213 = arith.constant 0 : i32
      %dma_start3A_214 = arith.constant 0 : i32
      %dma_start3A_215 = tpu.memref_slice %arg6[%dma_start3A_204, %dma_start3A_213, %dma_start3A_214] : memref<3x128x128xf32, #tpu.memory_space<vmem>> -> memref<1x128x128xf32, #tpu.memory_space<vmem>>
      %dma_start3A_216 = tpu.memref_squeeze %dma_start3A_215 : memref<1x128x128xf32, #tpu.memory_space<vmem>> -> memref<128x128xf32, #tpu.memory_space<vmem>>
      tpu.enqueue_dma source(%dma_start3A_216 : memref<128x128xf32, #tpu.memory_space<vmem>>) target(%dma_start3A_212 : memref<128x128xf32, #tpu.memory_space<hbm>>) target_semaphore(%arg13 : memref<!tpu.dma_semaphore, #tpu.memory_space<semaphore_mem>>)
      %ge3A_217 = arith.constant 1 : i32
      %ge3A_218 = arith.cmpi sge, %add3A_189, %ge3A_217 : i32
      %convert_element_type3A_219 = arith.extui %ge3A_218 : i1 to i32
      %cond3A_220 = arith.constant 0 : i32
      %cond3A_221 = arith.cmpi ne, %convert_element_type3A_219, %cond3A_220 : i32
      scf.if %cond3A_221 {
        %sub3A_568 = arith.constant 1 : i32
        %sub3A_569 = arith.subi %add3A_189, %sub3A_568 : i32
        %mul3A_570 = arith.constant 128 : i32
        %mul3A_571 = arith.muli %sub3A_569, %mul3A_570 : i32
        %add3A_572 = arith.addi %mul3A_2, %mul3A_571 : i32
        %dma_wait3A_573 = arith.constant 0 : i32
        %dma_wait3A_574 = arith.constant 0 : i32
        %dma_wait3A_575 = arith.constant 0 : i32
        %dma_wait3A_576 = tpu.memref_slice %arg6[%dma_wait3A_573, %dma_wait3A_574, %dma_wait3A_575] : memref<3x128x128xf32, #tpu.memory_space<vmem>> -> memref<1x128x128xf32, #tpu.memory_space<vmem>>
        %dma_wait3A_577 = tpu.memref_squeeze %dma_wait3A_576 : memref<1x128x128xf32, #tpu.memory_space<vmem>> -> memref<128x128xf32, #tpu.memory_space<vmem>>
        %dma_wait3A_578 = arith.constant 0 : i32
        %dma_wait3A_579 = tpu.memref_slice %arg4[%add3A_572, %dma_wait3A_578] : memref<204800x128xf32, #tpu.memory_space<hbm>> -> memref<128x128xf32, #tpu.memory_space<hbm>>
        %dma_wait3A_580 = arith.constant 0 : i32
        %dma_wait3A_581 = tpu.memref_slice %arg4[%add3A_572, %dma_wait3A_580] : memref<204800x128xf32, #tpu.memory_space<hbm>> -> memref<128x128xf32, #tpu.memory_space<hbm>>
        %dma_wait3A_582 = arith.constant 0 : i32
        %dma_wait3A_583 = arith.constant 0 : i32
        %dma_wait3A_584 = tpu.memref_slice %arg6[%dma_wait3A_573, %dma_wait3A_582, %dma_wait3A_583] : memref<3x128x128xf32, #tpu.memory_space<vmem>> -> memref<1x128x128xf32, #tpu.memory_space<vmem>>
        %dma_wait3A_585 = tpu.memref_squeeze %dma_wait3A_584 : memref<1x128x128xf32, #tpu.memory_space<vmem>> -> memref<128x128xf32, #tpu.memory_space<vmem>>
        tpu.wait_dma2 semaphore(%arg12 : memref<!tpu.dma_semaphore, #tpu.memory_space<semaphore_mem>>) src(%dma_wait3A_585 : memref<128x128xf32, #tpu.memory_space<vmem>>) dst(%dma_wait3A_581 : memref<128x128xf32, #tpu.memory_space<hbm>>)
      } else {
      }
      %add3A_222 = arith.constant 2 : i32
      %add3A_223 = arith.addi %add3A_189, %add3A_222 : i32
      %lt3A_224 = arith.constant 30 : i32
      %lt3A_225 = arith.cmpi slt, %add3A_223, %lt3A_224 : i32
      %convert_element_type3A_226 = arith.extui %lt3A_225 : i1 to i32
      %cond3A_227 = arith.constant 0 : i32
      %cond3A_228 = arith.cmpi ne, %convert_element_type3A_226, %cond3A_227 : i32
      scf.if %cond3A_228 {
        %add3A_568 = arith.constant 2 : i32
        %add3A_569 = arith.addi %add3A_189, %add3A_568 : i32
        %dma_start3A_570 = arith.constant 0 : i32
        %dma_start3A_571 = arith.constant 0 : i32
        %dma_start3A_572 = arith.constant 0 : i32
        %dma_start3A_573 = tpu.memref_slice %arg6[%dma_start3A_570, %dma_start3A_571, %dma_start3A_572] : memref<3x128x128xf32, #tpu.memory_space<vmem>> -> memref<1x128x128xf32, #tpu.memory_space<vmem>>
        %dma_start3A_574 = tpu.memref_squeeze %dma_start3A_573 : memref<1x128x128xf32, #tpu.memory_space<vmem>> -> memref<128x128xf32, #tpu.memory_space<vmem>>
        %dma_start3A_575 = arith.constant 0 : i32
        %dma_start3A_576 = tpu.memref_slice %arg5[%add3A_569, %dma_start3A_575] : memref<50x128xi32, #tpu.memory_space<vmem>> -> memref<1x128xi32, #tpu.memory_space<vmem>>
        %dma_start3A_577 = tpu.memref_squeeze %dma_start3A_576 : memref<1x128xi32, #tpu.memory_space<vmem>> -> memref<128xi32, #tpu.memory_space<vmem>>
        %dma_start3A_578 = arith.constant 0 : i32
        %dma_start3A_579 = arith.constant 0 : i32
        %dma_start3A_580 = tpu.memref_slice %arg3[%dma_start3A_578, %dma_start3A_579] : memref<1000000x128xf32, #tpu.memory_space<hbm>> -> memref<1000000x128xf32, #tpu.memory_space<hbm>>
        tpu.enqueue_indirect_dma source(%dma_start3A_580 : memref<1000000x128xf32, #tpu.memory_space<hbm>>) target(%dma_start3A_574 : memref<128x128xf32, #tpu.memory_space<vmem>>) offsets(%dma_start3A_577 : memref<128xi32, #tpu.memory_space<vmem>>) semaphore(%arg9 : memref<!tpu.dma_semaphore, #tpu.memory_space<semaphore_mem>>)
      } else {
      }
      %mul3A_229 = arith.constant 3 : i32
      %mul3A_230 = arith.muli %mul3A_229, %scan3A_146 : i32
      %add3A_231 = arith.constant 2 : i32
      %add3A_232 = arith.addi %mul3A_230, %add3A_231 : i32
      %dma_wait3A_233 = arith.constant 2 : i32
      %dma_wait3A_234 = arith.constant 0 : i32
      %dma_wait3A_235 = arith.constant 0 : i32
      %dma_wait3A_236 = tpu.memref_slice %arg6[%dma_wait3A_233, %dma_wait3A_234, %dma_wait3A_235] : memref<3x128x128xf32, #tpu.memory_space<vmem>> -> memref<1x128x128xf32, #tpu.memory_space<vmem>>
      %dma_wait3A_237 = tpu.memref_squeeze %dma_wait3A_236 : memref<1x128x128xf32, #tpu.memory_space<vmem>> -> memref<128x128xf32, #tpu.memory_space<vmem>>
      %dma_wait3A_238 = arith.constant 0 : i32
      %dma_wait3A_239 = tpu.memref_slice %arg5[%add3A_232, %dma_wait3A_238] : memref<50x128xi32, #tpu.memory_space<vmem>> -> memref<1x128xi32, #tpu.memory_space<vmem>>
      %dma_wait3A_240 = tpu.memref_squeeze %dma_wait3A_239 : memref<1x128xi32, #tpu.memory_space<vmem>> -> memref<128xi32, #tpu.memory_space<vmem>>
      %dma_wait3A_241 = arith.constant 0 : i32
      %dma_wait3A_242 = arith.constant 0 : i32
      %dma_wait3A_243 = tpu.memref_slice %arg3[%dma_wait3A_241, %dma_wait3A_242] : memref<1000000x128xf32, #tpu.memory_space<hbm>> -> memref<1000000x128xf32, #tpu.memory_space<hbm>>
      tpu.wait_indirect_dma semaphore(%arg11 : memref<!tpu.dma_semaphore, #tpu.memory_space<semaphore_mem>>) src(%dma_wait3A_243 : memref<1000000x128xf32, #tpu.memory_space<hbm>>) dst(%dma_wait3A_237 : memref<128x128xf32, #tpu.memory_space<vmem>>)
      %mul3A_244 = arith.constant 128 : i32
      %mul3A_245 = arith.muli %add3A_232, %mul3A_244 : i32
      %add3A_246 = arith.addi %mul3A_2, %mul3A_245 : i32
      %dma_start3A_247 = arith.constant 2 : i32
      %dma_start3A_248 = arith.constant 0 : i32
      %dma_start3A_249 = arith.constant 0 : i32
      %dma_start3A_250 = tpu.memref_slice %arg6[%dma_start3A_247, %dma_start3A_248, %dma_start3A_249] : memref<3x128x128xf32, #tpu.memory_space<vmem>> -> memref<1x128x128xf32, #tpu.memory_space<vmem>>
      %dma_start3A_251 = tpu.memref_squeeze %dma_start3A_250 : memref<1x128x128xf32, #tpu.memory_space<vmem>> -> memref<128x128xf32, #tpu.memory_space<vmem>>
      %dma_start3A_252 = arith.constant 0 : i32
      %dma_start3A_253 = tpu.memref_slice %arg4[%add3A_246, %dma_start3A_252] : memref<204800x128xf32, #tpu.memory_space<hbm>> -> memref<128x128xf32, #tpu.memory_space<hbm>>
      %dma_start3A_254 = arith.constant 0 : i32
      %dma_start3A_255 = tpu.memref_slice %arg4[%add3A_246, %dma_start3A_254] : memref<204800x128xf32, #tpu.memory_space<hbm>> -> memref<128x128xf32, #tpu.memory_space<hbm>>
      %dma_start3A_256 = arith.constant 0 : i32
      %dma_start3A_257 = arith.constant 0 : i32
      %dma_start3A_258 = tpu.memref_slice %arg6[%dma_start3A_247, %dma_start3A_256, %dma_start3A_257] : memref<3x128x128xf32, #tpu.memory_space<vmem>> -> memref<1x128x128xf32, #tpu.memory_space<vmem>>
      %dma_start3A_259 = tpu.memref_squeeze %dma_start3A_258 : memref<1x128x128xf32, #tpu.memory_space<vmem>> -> memref<128x128xf32, #tpu.memory_space<vmem>>
      tpu.enqueue_dma source(%dma_start3A_259 : memref<128x128xf32, #tpu.memory_space<vmem>>) target(%dma_start3A_255 : memref<128x128xf32, #tpu.memory_space<hbm>>) target_semaphore(%arg14 : memref<!tpu.dma_semaphore, #tpu.memory_space<semaphore_mem>>)
      %ge3A_260 = arith.constant 1 : i32
      %ge3A_261 = arith.cmpi sge, %add3A_232, %ge3A_260 : i32
      %convert_element_type3A_262 = arith.extui %ge3A_261 : i1 to i32
      %cond3A_263 = arith.constant 0 : i32
      %cond3A_264 = arith.cmpi ne, %convert_element_type3A_262, %cond3A_263 : i32
      scf.if %cond3A_264 {
        %sub3A_568 = arith.constant 1 : i32
        %sub3A_569 = arith.subi %add3A_232, %sub3A_568 : i32
        %mul3A_570 = arith.constant 128 : i32
        %mul3A_571 = arith.muli %sub3A_569, %mul3A_570 : i32
        %add3A_572 = arith.addi %mul3A_2, %mul3A_571 : i32
        %dma_wait3A_573 = arith.constant 1 : i32
        %dma_wait3A_574 = arith.constant 0 : i32
        %dma_wait3A_575 = arith.constant 0 : i32
        %dma_wait3A_576 = tpu.memref_slice %arg6[%dma_wait3A_573, %dma_wait3A_574, %dma_wait3A_575] : memref<3x128x128xf32, #tpu.memory_space<vmem>> -> memref<1x128x128xf32, #tpu.memory_space<vmem>>
        %dma_wait3A_577 = tpu.memref_squeeze %dma_wait3A_576 : memref<1x128x128xf32, #tpu.memory_space<vmem>> -> memref<128x128xf32, #tpu.memory_space<vmem>>
        %dma_wait3A_578 = arith.constant 0 : i32
        %dma_wait3A_579 = tpu.memref_slice %arg4[%add3A_572, %dma_wait3A_578] : memref<204800x128xf32, #tpu.memory_space<hbm>> -> memref<128x128xf32, #tpu.memory_space<hbm>>
        %dma_wait3A_580 = arith.constant 0 : i32
        %dma_wait3A_581 = tpu.memref_slice %arg4[%add3A_572, %dma_wait3A_580] : memref<204800x128xf32, #tpu.memory_space<hbm>> -> memref<128x128xf32, #tpu.memory_space<hbm>>
        %dma_wait3A_582 = arith.constant 0 : i32
        %dma_wait3A_583 = arith.constant 0 : i32
        %dma_wait3A_584 = tpu.memref_slice %arg6[%dma_wait3A_573, %dma_wait3A_582, %dma_wait3A_583] : memref<3x128x128xf32, #tpu.memory_space<vmem>> -> memref<1x128x128xf32, #tpu.memory_space<vmem>>
        %dma_wait3A_585 = tpu.memref_squeeze %dma_wait3A_584 : memref<1x128x128xf32, #tpu.memory_space<vmem>> -> memref<128x128xf32, #tpu.memory_space<vmem>>
        tpu.wait_dma2 semaphore(%arg13 : memref<!tpu.dma_semaphore, #tpu.memory_space<semaphore_mem>>) src(%dma_wait3A_585 : memref<128x128xf32, #tpu.memory_space<vmem>>) dst(%dma_wait3A_581 : memref<128x128xf32, #tpu.memory_space<hbm>>)
      } else {
      }
      %add3A_265 = arith.constant 2 : i32
      %add3A_266 = arith.addi %add3A_232, %add3A_265 : i32
      %lt3A_267 = arith.constant 30 : i32
      %lt3A_268 = arith.cmpi slt, %add3A_266, %lt3A_267 : i32
      %convert_element_type3A_269 = arith.extui %lt3A_268 : i1 to i32
      %cond3A_270 = arith.constant 0 : i32
      %cond3A_271 = arith.cmpi ne, %convert_element_type3A_269, %cond3A_270 : i32
      scf.if %cond3A_271 {
        %add3A_568 = arith.constant 2 : i32
        %add3A_569 = arith.addi %add3A_232, %add3A_568 : i32
        %dma_start3A_570 = arith.constant 1 : i32
        %dma_start3A_571 = arith.constant 0 : i32
        %dma_start3A_572 = arith.constant 0 : i32
        %dma_start3A_573 = tpu.memref_slice %arg6[%dma_start3A_570, %dma_start3A_571, %dma_start3A_572] : memref<3x128x128xf32, #tpu.memory_space<vmem>> -> memref<1x128x128xf32, #tpu.memory_space<vmem>>
        %dma_start3A_574 = tpu.memref_squeeze %dma_start3A_573 : memref<1x128x128xf32, #tpu.memory_space<vmem>> -> memref<128x128xf32, #tpu.memory_space<vmem>>
        %dma_start3A_575 = arith.constant 0 : i32
        %dma_start3A_576 = tpu.memref_slice %arg5[%add3A_569, %dma_start3A_575] : memref<50x128xi32, #tpu.memory_space<vmem>> -> memref<1x128xi32, #tpu.memory_space<vmem>>
        %dma_start3A_577 = tpu.memref_squeeze %dma_start3A_576 : memref<1x128xi32, #tpu.memory_space<vmem>> -> memref<128xi32, #tpu.memory_space<vmem>>
        %dma_start3A_578 = arith.constant 0 : i32
        %dma_start3A_579 = arith.constant 0 : i32
        %dma_start3A_580 = tpu.memref_slice %arg3[%dma_start3A_578, %dma_start3A_579] : memref<1000000x128xf32, #tpu.memory_space<hbm>> -> memref<1000000x128xf32, #tpu.memory_space<hbm>>
        tpu.enqueue_indirect_dma source(%dma_start3A_580 : memref<1000000x128xf32, #tpu.memory_space<hbm>>) target(%dma_start3A_574 : memref<128x128xf32, #tpu.memory_space<vmem>>) offsets(%dma_start3A_577 : memref<128xi32, #tpu.memory_space<vmem>>) semaphore(%arg10 : memref<!tpu.dma_semaphore, #tpu.memory_space<semaphore_mem>>)
      } else {
      }
      %mul3A_272 = arith.constant 4 : i32
      %mul3A_273 = arith.muli %mul3A_272, %scan3A_146 : i32
      %add3A_274 = arith.constant 0 : i32
      %add3A_275 = arith.addi %mul3A_273, %add3A_274 : i32
      %jit3A = arith.constant 2 : i32
      %div3A = arith.divsi %add3A_275, %jit3A : i32
      %sign3A = arith.constant 0 : i32
      %sign3A_276 = arith.cmpi sgt, %add3A_275, %sign3A : i32
      %sign3A_277 = arith.extui %sign3A_276 : i1 to i32
      %sign3A_278 = arith.constant 0 : i32
      %sign3A_279 = arith.cmpi slt, %add3A_275, %sign3A_278 : i32
      %sign3A_280 = arith.extui %sign3A_279 : i1 to i32
      %sign3A_281 = arith.subi %sign3A_277, %sign3A_280 : i32
      %sign3A_282 = arith.constant 0 : i32
      %sign3A_283 = arith.cmpi sgt, %jit3A, %sign3A_282 : i32
      %sign3A_284 = arith.extui %sign3A_283 : i1 to i32
      %sign3A_285 = arith.constant 0 : i32
      %sign3A_286 = arith.cmpi slt, %jit3A, %sign3A_285 : i32
      %sign3A_287 = arith.extui %sign3A_286 : i1 to i32
      %sign3A_288 = arith.subi %sign3A_284, %sign3A_287 : i32
      %ne3A = arith.cmpi ne, %sign3A_281, %sign3A_288 : i32
      %rem3A = arith.remsi %add3A_275, %jit3A : i32
      %ne3A_289 = arith.constant 0 : i32
      %ne3A_290 = arith.cmpi ne, %rem3A, %ne3A_289 : i32
      %and3A = arith.andi %ne3A, %ne3A_290 : i1
      %sub3A = arith.constant 1 : i32
      %sub3A_291 = arith.subi %div3A, %sub3A : i32
      %select_n3A = arith.select %and3A, %sub3A_291, %div3A : i32
      %add3A_292 = arith.constant 30 : i32
      %add3A_293 = arith.addi %add3A_292, %select_n3A : i32
      %dma_wait3A_294 = arith.constant 0 : i32
      %dma_wait3A_295 = arith.constant 0 : i32
      %dma_wait3A_296 = arith.constant 0 : i32
      %dma_wait3A_297 = tpu.memref_slice %arg7[%dma_wait3A_294, %dma_wait3A_295, %dma_wait3A_296] : memref<4x64x128xf32, #tpu.memory_space<vmem>> -> memref<1x64x128xf32, #tpu.memory_space<vmem>>
      %dma_wait3A_298 = tpu.memref_squeeze %dma_wait3A_297 : memref<1x64x128xf32, #tpu.memory_space<vmem>> -> memref<64x128xf32, #tpu.memory_space<vmem>>
      %dma_wait3A_299 = arith.constant 0 : i32
      %dma_wait3A_300 = tpu.memref_slice %arg5[%add3A_293, %dma_wait3A_299] : memref<50x128xi32, #tpu.memory_space<vmem>> -> memref<1x64xi32, #tpu.memory_space<vmem>>
      %dma_wait3A_301 = tpu.memref_squeeze %dma_wait3A_300 : memref<1x64xi32, #tpu.memory_space<vmem>> -> memref<64xi32, #tpu.memory_space<vmem>>
      %dma_wait3A_302 = arith.constant 0 : i32
      %dma_wait3A_303 = arith.constant 0 : i32
      %dma_wait3A_304 = tpu.memref_slice %arg3[%dma_wait3A_302, %dma_wait3A_303] : memref<1000000x128xf32, #tpu.memory_space<hbm>> -> memref<1000000x128xf32, #tpu.memory_space<hbm>>
      tpu.wait_indirect_dma semaphore(%arg15 : memref<!tpu.dma_semaphore, #tpu.memory_space<semaphore_mem>>) src(%dma_wait3A_304 : memref<1000000x128xf32, #tpu.memory_space<hbm>>) dst(%dma_wait3A_298 : memref<64x128xf32, #tpu.memory_space<vmem>>)
      %ge3A_305 = arith.constant 4 : i32
      %ge3A_306 = arith.cmpi sge, %add3A_275, %ge3A_305 : i32
      %convert_element_type3A_307 = arith.extui %ge3A_306 : i1 to i32
      %cond3A_308 = arith.constant 0 : i32
      %cond3A_309 = arith.cmpi ne, %convert_element_type3A_307, %cond3A_308 : i32
      scf.if %cond3A_309 {
        %sub3A_568 = arith.constant 4 : i32
        %sub3A_569 = arith.subi %add3A_275, %sub3A_568 : i32
        %mul3A_570 = arith.constant 64 : i32
        %mul3A_571 = arith.muli %sub3A_569, %mul3A_570 : i32
        %add3A_572 = arith.addi %add3A_4, %mul3A_571 : i32
        %dma_wait3A_573 = arith.constant 0 : i32
        %dma_wait3A_574 = arith.constant 0 : i32
        %dma_wait3A_575 = tpu.memref_slice %arg4[%add3A_572, %dma_wait3A_574] : memref<204800x128xf32, #tpu.memory_space<hbm>> -> memref<64x128xf32, #tpu.memory_space<hbm>>
        %dma_wait3A_576 = arith.constant 0 : i32
        %dma_wait3A_577 = arith.constant 0 : i32
        %dma_wait3A_578 = tpu.memref_slice %arg8[%arg1, %dma_wait3A_573, %dma_wait3A_576, %dma_wait3A_577] : memref<16x4x64x128xf32, #tpu.memory_space<vmem_shared>> -> memref<1x1x64x128xf32, #tpu.memory_space<vmem_shared>>
        %dma_wait3A_579 = tpu.memref_squeeze %dma_wait3A_578 : memref<1x1x64x128xf32, #tpu.memory_space<vmem_shared>> -> memref<64x128xf32, #tpu.memory_space<vmem_shared>>
        tpu.wait_dma2 semaphore(%arg23 : memref<!tpu.dma_semaphore, #tpu.memory_space<semaphore_mem>>) src(%dma_wait3A_579 : memref<64x128xf32, #tpu.memory_space<vmem_shared>>) dst(%dma_wait3A_575 : memref<64x128xf32, #tpu.memory_space<hbm>>)
      } else {
      }
      %dma_start3A_310 = arith.constant 0 : i32
      %dma_start3A_311 = arith.constant 0 : i32
      %dma_start3A_312 = arith.constant 0 : i32
      %dma_start3A_313 = arith.constant 0 : i32
      %dma_start3A_314 = tpu.memref_slice %arg7[%dma_start3A_310, %dma_start3A_312, %dma_start3A_313] : memref<4x64x128xf32, #tpu.memory_space<vmem>> -> memref<1x64x128xf32, #tpu.memory_space<vmem>>
      %dma_start3A_315 = tpu.memref_squeeze %dma_start3A_314 : memref<1x64x128xf32, #tpu.memory_space<vmem>> -> memref<64x128xf32, #tpu.memory_space<vmem>>
      %dma_start3A_316 = arith.constant 0 : i32
      %dma_start3A_317 = arith.constant 0 : i32
      %dma_start3A_318 = tpu.memref_slice %arg8[%arg1, %dma_start3A_311, %dma_start3A_316, %dma_start3A_317] : memref<16x4x64x128xf32, #tpu.memory_space<vmem_shared>> -> memref<1x1x64x128xf32, #tpu.memory_space<vmem_shared>>
      %dma_start3A_319 = tpu.memref_squeeze %dma_start3A_318 : memref<1x1x64x128xf32, #tpu.memory_space<vmem_shared>> -> memref<64x128xf32, #tpu.memory_space<vmem_shared>>
      %dma_start3A_320 = arith.constant 0 : i32
      %dma_start3A_321 = arith.constant 0 : i32
      %dma_start3A_322 = tpu.memref_slice %arg8[%arg1, %dma_start3A_311, %dma_start3A_320, %dma_start3A_321] : memref<16x4x64x128xf32, #tpu.memory_space<vmem_shared>> -> memref<1x1x64x128xf32, #tpu.memory_space<vmem_shared>>
      %dma_start3A_323 = tpu.memref_squeeze %dma_start3A_322 : memref<1x1x64x128xf32, #tpu.memory_space<vmem_shared>> -> memref<64x128xf32, #tpu.memory_space<vmem_shared>>
      %dma_start3A_324 = arith.constant 0 : i32
      %dma_start3A_325 = arith.constant 0 : i32
      %dma_start3A_326 = tpu.memref_slice %arg7[%dma_start3A_310, %dma_start3A_324, %dma_start3A_325] : memref<4x64x128xf32, #tpu.memory_space<vmem>> -> memref<1x64x128xf32, #tpu.memory_space<vmem>>
      %dma_start3A_327 = tpu.memref_squeeze %dma_start3A_326 : memref<1x64x128xf32, #tpu.memory_space<vmem>> -> memref<64x128xf32, #tpu.memory_space<vmem>>
      tpu.enqueue_dma source(%dma_start3A_327 : memref<64x128xf32, #tpu.memory_space<vmem>>) target(%dma_start3A_323 : memref<64x128xf32, #tpu.memory_space<vmem_shared>>) target_semaphore(%arg19 : memref<!tpu.dma_semaphore, #tpu.memory_space<semaphore_mem>>)
      %ge3A_328 = arith.constant 1 : i32
      %ge3A_329 = arith.cmpi sge, %add3A_275, %ge3A_328 : i32
      %convert_element_type3A_330 = arith.extui %ge3A_329 : i1 to i32
      %cond3A_331 = arith.constant 0 : i32
      %cond3A_332 = arith.cmpi ne, %convert_element_type3A_330, %cond3A_331 : i32
      scf.if %cond3A_332 {
        %dma_wait3A_568 = arith.constant 3 : i32
        %dma_wait3A_569 = arith.constant 3 : i32
        %dma_wait3A_570 = arith.constant 0 : i32
        %dma_wait3A_571 = arith.constant 0 : i32
        %dma_wait3A_572 = tpu.memref_slice %arg7[%dma_wait3A_568, %dma_wait3A_570, %dma_wait3A_571] : memref<4x64x128xf32, #tpu.memory_space<vmem>> -> memref<1x64x128xf32, #tpu.memory_space<vmem>>
        %dma_wait3A_573 = tpu.memref_squeeze %dma_wait3A_572 : memref<1x64x128xf32, #tpu.memory_space<vmem>> -> memref<64x128xf32, #tpu.memory_space<vmem>>
        %dma_wait3A_574 = arith.constant 0 : i32
        %dma_wait3A_575 = arith.constant 0 : i32
        %dma_wait3A_576 = tpu.memref_slice %arg8[%arg1, %dma_wait3A_569, %dma_wait3A_574, %dma_wait3A_575] : memref<16x4x64x128xf32, #tpu.memory_space<vmem_shared>> -> memref<1x1x64x128xf32, #tpu.memory_space<vmem_shared>>
        %dma_wait3A_577 = tpu.memref_squeeze %dma_wait3A_576 : memref<1x1x64x128xf32, #tpu.memory_space<vmem_shared>> -> memref<64x128xf32, #tpu.memory_space<vmem_shared>>
        %dma_wait3A_578 = arith.constant 0 : i32
        %dma_wait3A_579 = arith.constant 0 : i32
        %dma_wait3A_580 = tpu.memref_slice %arg8[%arg1, %dma_wait3A_569, %dma_wait3A_578, %dma_wait3A_579] : memref<16x4x64x128xf32, #tpu.memory_space<vmem_shared>> -> memref<1x1x64x128xf32, #tpu.memory_space<vmem_shared>>
        %dma_wait3A_581 = tpu.memref_squeeze %dma_wait3A_580 : memref<1x1x64x128xf32, #tpu.memory_space<vmem_shared>> -> memref<64x128xf32, #tpu.memory_space<vmem_shared>>
        %dma_wait3A_582 = arith.constant 0 : i32
        %dma_wait3A_583 = arith.constant 0 : i32
        %dma_wait3A_584 = tpu.memref_slice %arg7[%dma_wait3A_568, %dma_wait3A_582, %dma_wait3A_583] : memref<4x64x128xf32, #tpu.memory_space<vmem>> -> memref<1x64x128xf32, #tpu.memory_space<vmem>>
        %dma_wait3A_585 = tpu.memref_squeeze %dma_wait3A_584 : memref<1x64x128xf32, #tpu.memory_space<vmem>> -> memref<64x128xf32, #tpu.memory_space<vmem>>
        tpu.wait_dma2 semaphore(%arg22 : memref<!tpu.dma_semaphore, #tpu.memory_space<semaphore_mem>>) src(%dma_wait3A_585 : memref<64x128xf32, #tpu.memory_space<vmem>>) dst(%dma_wait3A_581 : memref<64x128xf32, #tpu.memory_space<vmem_shared>>)
        %sub3A_586 = arith.constant 1 : i32
        %sub3A_587 = arith.subi %add3A_275, %sub3A_586 : i32
        %mul3A_588 = arith.constant 64 : i32
        %mul3A_589 = arith.muli %sub3A_587, %mul3A_588 : i32
        %add3A_590 = arith.addi %add3A_4, %mul3A_589 : i32
        %dma_start3A_591 = arith.constant 3 : i32
        %dma_start3A_592 = arith.constant 0 : i32
        %dma_start3A_593 = tpu.memref_slice %arg4[%add3A_590, %dma_start3A_592] : memref<204800x128xf32, #tpu.memory_space<hbm>> -> memref<64x128xf32, #tpu.memory_space<hbm>>
        %dma_start3A_594 = arith.constant 0 : i32
        %dma_start3A_595 = arith.constant 0 : i32
        %dma_start3A_596 = tpu.memref_slice %arg8[%arg1, %dma_start3A_591, %dma_start3A_594, %dma_start3A_595] : memref<16x4x64x128xf32, #tpu.memory_space<vmem_shared>> -> memref<1x1x64x128xf32, #tpu.memory_space<vmem_shared>>
        %dma_start3A_597 = tpu.memref_squeeze %dma_start3A_596 : memref<1x1x64x128xf32, #tpu.memory_space<vmem_shared>> -> memref<64x128xf32, #tpu.memory_space<vmem_shared>>
        tpu.enqueue_dma source(%dma_start3A_597 : memref<64x128xf32, #tpu.memory_space<vmem_shared>>) target(%dma_start3A_593 : memref<64x128xf32, #tpu.memory_space<hbm>>) target_semaphore(%arg26 : memref<!tpu.dma_semaphore, #tpu.memory_space<semaphore_mem>>)
      } else {
      }
      %add3A_333 = arith.constant 3 : i32
      %add3A_334 = arith.addi %add3A_275, %add3A_333 : i32
      %lt3A_335 = arith.constant 40 : i32
      %lt3A_336 = arith.cmpi slt, %add3A_334, %lt3A_335 : i32
      %convert_element_type3A_337 = arith.extui %lt3A_336 : i1 to i32
      %cond3A_338 = arith.constant 0 : i32
      %cond3A_339 = arith.cmpi ne, %convert_element_type3A_337, %cond3A_338 : i32
      scf.if %cond3A_339 {
        %add3A_568 = arith.constant 3 : i32
        %add3A_569 = arith.addi %add3A_275, %add3A_568 : i32
        %jit3A_570 = arith.constant 2 : i32
        %div3A_571 = arith.divsi %add3A_569, %jit3A_570 : i32
        %sign3A_572 = arith.constant 0 : i32
        %sign3A_573 = arith.cmpi sgt, %add3A_569, %sign3A_572 : i32
        %sign3A_574 = arith.extui %sign3A_573 : i1 to i32
        %sign3A_575 = arith.constant 0 : i32
        %sign3A_576 = arith.cmpi slt, %add3A_569, %sign3A_575 : i32
        %sign3A_577 = arith.extui %sign3A_576 : i1 to i32
        %sign3A_578 = arith.subi %sign3A_574, %sign3A_577 : i32
        %sign3A_579 = arith.constant 0 : i32
        %sign3A_580 = arith.cmpi sgt, %jit3A_570, %sign3A_579 : i32
        %sign3A_581 = arith.extui %sign3A_580 : i1 to i32
        %sign3A_582 = arith.constant 0 : i32
        %sign3A_583 = arith.cmpi slt, %jit3A_570, %sign3A_582 : i32
        %sign3A_584 = arith.extui %sign3A_583 : i1 to i32
        %sign3A_585 = arith.subi %sign3A_581, %sign3A_584 : i32
        %ne3A_586 = arith.cmpi ne, %sign3A_578, %sign3A_585 : i32
        %rem3A_587 = arith.remsi %add3A_569, %jit3A_570 : i32
        %ne3A_588 = arith.constant 0 : i32
        %ne3A_589 = arith.cmpi ne, %rem3A_587, %ne3A_588 : i32
        %and3A_590 = arith.andi %ne3A_586, %ne3A_589 : i1
        %sub3A_591 = arith.constant 1 : i32
        %sub3A_592 = arith.subi %div3A_571, %sub3A_591 : i32
        %select_n3A_593 = arith.select %and3A_590, %sub3A_592, %div3A_571 : i32
        %add3A_594 = arith.constant 30 : i32
        %add3A_595 = arith.addi %add3A_594, %select_n3A_593 : i32
        %dma_start3A_596 = arith.constant 3 : i32
        %dma_start3A_597 = arith.constant 0 : i32
        %dma_start3A_598 = arith.constant 0 : i32
        %dma_start3A_599 = tpu.memref_slice %arg7[%dma_start3A_596, %dma_start3A_597, %dma_start3A_598] : memref<4x64x128xf32, #tpu.memory_space<vmem>> -> memref<1x64x128xf32, #tpu.memory_space<vmem>>
        %dma_start3A_600 = tpu.memref_squeeze %dma_start3A_599 : memref<1x64x128xf32, #tpu.memory_space<vmem>> -> memref<64x128xf32, #tpu.memory_space<vmem>>
        %dma_start3A_601 = arith.constant 64 : i32
        %dma_start3A_602 = tpu.memref_slice %arg5[%add3A_595, %dma_start3A_601] : memref<50x128xi32, #tpu.memory_space<vmem>> -> memref<1x64xi32, #tpu.memory_space<vmem>>
        %dma_start3A_603 = tpu.memref_squeeze %dma_start3A_602 : memref<1x64xi32, #tpu.memory_space<vmem>> -> memref<64xi32, #tpu.memory_space<vmem>>
        %dma_start3A_604 = arith.constant 0 : i32
        %dma_start3A_605 = arith.constant 0 : i32
        %dma_start3A_606 = tpu.memref_slice %arg3[%dma_start3A_604, %dma_start3A_605] : memref<1000000x128xf32, #tpu.memory_space<hbm>> -> memref<1000000x128xf32, #tpu.memory_space<hbm>>
        tpu.enqueue_indirect_dma source(%dma_start3A_606 : memref<1000000x128xf32, #tpu.memory_space<hbm>>) target(%dma_start3A_600 : memref<64x128xf32, #tpu.memory_space<vmem>>) offsets(%dma_start3A_603 : memref<64xi32, #tpu.memory_space<vmem>>) semaphore(%arg18 : memref<!tpu.dma_semaphore, #tpu.memory_space<semaphore_mem>>)
      } else {
      }
      %mul3A_340 = arith.constant 4 : i32
      %mul3A_341 = arith.muli %mul3A_340, %scan3A_146 : i32
      %add3A_342 = arith.constant 1 : i32
      %add3A_343 = arith.addi %mul3A_341, %add3A_342 : i32
      %jit3A_344 = arith.constant 2 : i32
      %div3A_345 = arith.divsi %add3A_343, %jit3A_344 : i32
      %sign3A_346 = arith.constant 0 : i32
      %sign3A_347 = arith.cmpi sgt, %add3A_343, %sign3A_346 : i32
      %sign3A_348 = arith.extui %sign3A_347 : i1 to i32
      %sign3A_349 = arith.constant 0 : i32
      %sign3A_350 = arith.cmpi slt, %add3A_343, %sign3A_349 : i32
      %sign3A_351 = arith.extui %sign3A_350 : i1 to i32
      %sign3A_352 = arith.subi %sign3A_348, %sign3A_351 : i32
      %sign3A_353 = arith.constant 0 : i32
      %sign3A_354 = arith.cmpi sgt, %jit3A_344, %sign3A_353 : i32
      %sign3A_355 = arith.extui %sign3A_354 : i1 to i32
      %sign3A_356 = arith.constant 0 : i32
      %sign3A_357 = arith.cmpi slt, %jit3A_344, %sign3A_356 : i32
      %sign3A_358 = arith.extui %sign3A_357 : i1 to i32
      %sign3A_359 = arith.subi %sign3A_355, %sign3A_358 : i32
      %ne3A_360 = arith.cmpi ne, %sign3A_352, %sign3A_359 : i32
      %rem3A_361 = arith.remsi %add3A_343, %jit3A_344 : i32
      %ne3A_362 = arith.constant 0 : i32
      %ne3A_363 = arith.cmpi ne, %rem3A_361, %ne3A_362 : i32
      %and3A_364 = arith.andi %ne3A_360, %ne3A_363 : i1
      %sub3A_365 = arith.constant 1 : i32
      %sub3A_366 = arith.subi %div3A_345, %sub3A_365 : i32
      %select_n3A_367 = arith.select %and3A_364, %sub3A_366, %div3A_345 : i32
      %add3A_368 = arith.constant 30 : i32
      %add3A_369 = arith.addi %add3A_368, %select_n3A_367 : i32
      %dma_wait3A_370 = arith.constant 1 : i32
      %dma_wait3A_371 = arith.constant 0 : i32
      %dma_wait3A_372 = arith.constant 0 : i32
      %dma_wait3A_373 = tpu.memref_slice %arg7[%dma_wait3A_370, %dma_wait3A_371, %dma_wait3A_372] : memref<4x64x128xf32, #tpu.memory_space<vmem>> -> memref<1x64x128xf32, #tpu.memory_space<vmem>>
      %dma_wait3A_374 = tpu.memref_squeeze %dma_wait3A_373 : memref<1x64x128xf32, #tpu.memory_space<vmem>> -> memref<64x128xf32, #tpu.memory_space<vmem>>
      %dma_wait3A_375 = arith.constant 64 : i32
      %dma_wait3A_376 = tpu.memref_slice %arg5[%add3A_369, %dma_wait3A_375] : memref<50x128xi32, #tpu.memory_space<vmem>> -> memref<1x64xi32, #tpu.memory_space<vmem>>
      %dma_wait3A_377 = tpu.memref_squeeze %dma_wait3A_376 : memref<1x64xi32, #tpu.memory_space<vmem>> -> memref<64xi32, #tpu.memory_space<vmem>>
      %dma_wait3A_378 = arith.constant 0 : i32
      %dma_wait3A_379 = arith.constant 0 : i32
      %dma_wait3A_380 = tpu.memref_slice %arg3[%dma_wait3A_378, %dma_wait3A_379] : memref<1000000x128xf32, #tpu.memory_space<hbm>> -> memref<1000000x128xf32, #tpu.memory_space<hbm>>
      tpu.wait_indirect_dma semaphore(%arg16 : memref<!tpu.dma_semaphore, #tpu.memory_space<semaphore_mem>>) src(%dma_wait3A_380 : memref<1000000x128xf32, #tpu.memory_space<hbm>>) dst(%dma_wait3A_374 : memref<64x128xf32, #tpu.memory_space<vmem>>)
      %ge3A_381 = arith.constant 4 : i32
      %ge3A_382 = arith.cmpi sge, %add3A_343, %ge3A_381 : i32
      %convert_element_type3A_383 = arith.extui %ge3A_382 : i1 to i32
      %cond3A_384 = arith.constant 0 : i32
      %cond3A_385 = arith.cmpi ne, %convert_element_type3A_383, %cond3A_384 : i32
      scf.if %cond3A_385 {
        %sub3A_568 = arith.constant 4 : i32
        %sub3A_569 = arith.subi %add3A_343, %sub3A_568 : i32
        %mul3A_570 = arith.constant 64 : i32
        %mul3A_571 = arith.muli %sub3A_569, %mul3A_570 : i32
        %add3A_572 = arith.addi %add3A_4, %mul3A_571 : i32
        %dma_wait3A_573 = arith.constant 1 : i32
        %dma_wait3A_574 = arith.constant 0 : i32
        %dma_wait3A_575 = tpu.memref_slice %arg4[%add3A_572, %dma_wait3A_574] : memref<204800x128xf32, #tpu.memory_space<hbm>> -> memref<64x128xf32, #tpu.memory_space<hbm>>
        %dma_wait3A_576 = arith.constant 0 : i32
        %dma_wait3A_577 = arith.constant 0 : i32
        %dma_wait3A_578 = tpu.memref_slice %arg8[%arg1, %dma_wait3A_573, %dma_wait3A_576, %dma_wait3A_577] : memref<16x4x64x128xf32, #tpu.memory_space<vmem_shared>> -> memref<1x1x64x128xf32, #tpu.memory_space<vmem_shared>>
        %dma_wait3A_579 = tpu.memref_squeeze %dma_wait3A_578 : memref<1x1x64x128xf32, #tpu.memory_space<vmem_shared>> -> memref<64x128xf32, #tpu.memory_space<vmem_shared>>
        tpu.wait_dma2 semaphore(%arg24 : memref<!tpu.dma_semaphore, #tpu.memory_space<semaphore_mem>>) src(%dma_wait3A_579 : memref<64x128xf32, #tpu.memory_space<vmem_shared>>) dst(%dma_wait3A_575 : memref<64x128xf32, #tpu.memory_space<hbm>>)
      } else {
      }
      %dma_start3A_386 = arith.constant 1 : i32
      %dma_start3A_387 = arith.constant 1 : i32
      %dma_start3A_388 = arith.constant 0 : i32
      %dma_start3A_389 = arith.constant 0 : i32
      %dma_start3A_390 = tpu.memref_slice %arg7[%dma_start3A_386, %dma_start3A_388, %dma_start3A_389] : memref<4x64x128xf32, #tpu.memory_space<vmem>> -> memref<1x64x128xf32, #tpu.memory_space<vmem>>
      %dma_start3A_391 = tpu.memref_squeeze %dma_start3A_390 : memref<1x64x128xf32, #tpu.memory_space<vmem>> -> memref<64x128xf32, #tpu.memory_space<vmem>>
      %dma_start3A_392 = arith.constant 0 : i32
      %dma_start3A_393 = arith.constant 0 : i32
      %dma_start3A_394 = tpu.memref_slice %arg8[%arg1, %dma_start3A_387, %dma_start3A_392, %dma_start3A_393] : memref<16x4x64x128xf32, #tpu.memory_space<vmem_shared>> -> memref<1x1x64x128xf32, #tpu.memory_space<vmem_shared>>
      %dma_start3A_395 = tpu.memref_squeeze %dma_start3A_394 : memref<1x1x64x128xf32, #tpu.memory_space<vmem_shared>> -> memref<64x128xf32, #tpu.memory_space<vmem_shared>>
      %dma_start3A_396 = arith.constant 0 : i32
      %dma_start3A_397 = arith.constant 0 : i32
      %dma_start3A_398 = tpu.memref_slice %arg8[%arg1, %dma_start3A_387, %dma_start3A_396, %dma_start3A_397] : memref<16x4x64x128xf32, #tpu.memory_space<vmem_shared>> -> memref<1x1x64x128xf32, #tpu.memory_space<vmem_shared>>
      %dma_start3A_399 = tpu.memref_squeeze %dma_start3A_398 : memref<1x1x64x128xf32, #tpu.memory_space<vmem_shared>> -> memref<64x128xf32, #tpu.memory_space<vmem_shared>>
      %dma_start3A_400 = arith.constant 0 : i32
      %dma_start3A_401 = arith.constant 0 : i32
      %dma_start3A_402 = tpu.memref_slice %arg7[%dma_start3A_386, %dma_start3A_400, %dma_start3A_401] : memref<4x64x128xf32, #tpu.memory_space<vmem>> -> memref<1x64x128xf32, #tpu.memory_space<vmem>>
      %dma_start3A_403 = tpu.memref_squeeze %dma_start3A_402 : memref<1x64x128xf32, #tpu.memory_space<vmem>> -> memref<64x128xf32, #tpu.memory_space<vmem>>
      tpu.enqueue_dma source(%dma_start3A_403 : memref<64x128xf32, #tpu.memory_space<vmem>>) target(%dma_start3A_399 : memref<64x128xf32, #tpu.memory_space<vmem_shared>>) target_semaphore(%arg20 : memref<!tpu.dma_semaphore, #tpu.memory_space<semaphore_mem>>)
      %ge3A_404 = arith.constant 1 : i32
      %ge3A_405 = arith.cmpi sge, %add3A_343, %ge3A_404 : i32
      %convert_element_type3A_406 = arith.extui %ge3A_405 : i1 to i32
      %cond3A_407 = arith.constant 0 : i32
      %cond3A_408 = arith.cmpi ne, %convert_element_type3A_406, %cond3A_407 : i32
      scf.if %cond3A_408 {
        %dma_wait3A_568 = arith.constant 0 : i32
        %dma_wait3A_569 = arith.constant 0 : i32
        %dma_wait3A_570 = arith.constant 0 : i32
        %dma_wait3A_571 = arith.constant 0 : i32
        %dma_wait3A_572 = tpu.memref_slice %arg7[%dma_wait3A_568, %dma_wait3A_570, %dma_wait3A_571] : memref<4x64x128xf32, #tpu.memory_space<vmem>> -> memref<1x64x128xf32, #tpu.memory_space<vmem>>
        %dma_wait3A_573 = tpu.memref_squeeze %dma_wait3A_572 : memref<1x64x128xf32, #tpu.memory_space<vmem>> -> memref<64x128xf32, #tpu.memory_space<vmem>>
        %dma_wait3A_574 = arith.constant 0 : i32
        %dma_wait3A_575 = arith.constant 0 : i32
        %dma_wait3A_576 = tpu.memref_slice %arg8[%arg1, %dma_wait3A_569, %dma_wait3A_574, %dma_wait3A_575] : memref<16x4x64x128xf32, #tpu.memory_space<vmem_shared>> -> memref<1x1x64x128xf32, #tpu.memory_space<vmem_shared>>
        %dma_wait3A_577 = tpu.memref_squeeze %dma_wait3A_576 : memref<1x1x64x128xf32, #tpu.memory_space<vmem_shared>> -> memref<64x128xf32, #tpu.memory_space<vmem_shared>>
        %dma_wait3A_578 = arith.constant 0 : i32
        %dma_wait3A_579 = arith.constant 0 : i32
        %dma_wait3A_580 = tpu.memref_slice %arg8[%arg1, %dma_wait3A_569, %dma_wait3A_578, %dma_wait3A_579] : memref<16x4x64x128xf32, #tpu.memory_space<vmem_shared>> -> memref<1x1x64x128xf32, #tpu.memory_space<vmem_shared>>
        %dma_wait3A_581 = tpu.memref_squeeze %dma_wait3A_580 : memref<1x1x64x128xf32, #tpu.memory_space<vmem_shared>> -> memref<64x128xf32, #tpu.memory_space<vmem_shared>>
        %dma_wait3A_582 = arith.constant 0 : i32
        %dma_wait3A_583 = arith.constant 0 : i32
        %dma_wait3A_584 = tpu.memref_slice %arg7[%dma_wait3A_568, %dma_wait3A_582, %dma_wait3A_583] : memref<4x64x128xf32, #tpu.memory_space<vmem>> -> memref<1x64x128xf32, #tpu.memory_space<vmem>>
        %dma_wait3A_585 = tpu.memref_squeeze %dma_wait3A_584 : memref<1x64x128xf32, #tpu.memory_space<vmem>> -> memref<64x128xf32, #tpu.memory_space<vmem>>
        tpu.wait_dma2 semaphore(%arg19 : memref<!tpu.dma_semaphore, #tpu.memory_space<semaphore_mem>>) src(%dma_wait3A_585 : memref<64x128xf32, #tpu.memory_space<vmem>>) dst(%dma_wait3A_581 : memref<64x128xf32, #tpu.memory_space<vmem_shared>>)
        %sub3A_586 = arith.constant 1 : i32
        %sub3A_587 = arith.subi %add3A_343, %sub3A_586 : i32
        %mul3A_588 = arith.constant 64 : i32
        %mul3A_589 = arith.muli %sub3A_587, %mul3A_588 : i32
        %add3A_590 = arith.addi %add3A_4, %mul3A_589 : i32
        %dma_start3A_591 = arith.constant 0 : i32
        %dma_start3A_592 = arith.constant 0 : i32
        %dma_start3A_593 = tpu.memref_slice %arg4[%add3A_590, %dma_start3A_592] : memref<204800x128xf32, #tpu.memory_space<hbm>> -> memref<64x128xf32, #tpu.memory_space<hbm>>
        %dma_start3A_594 = arith.constant 0 : i32
        %dma_start3A_595 = arith.constant 0 : i32
        %dma_start3A_596 = tpu.memref_slice %arg8[%arg1, %dma_start3A_591, %dma_start3A_594, %dma_start3A_595] : memref<16x4x64x128xf32, #tpu.memory_space<vmem_shared>> -> memref<1x1x64x128xf32, #tpu.memory_space<vmem_shared>>
        %dma_start3A_597 = tpu.memref_squeeze %dma_start3A_596 : memref<1x1x64x128xf32, #tpu.memory_space<vmem_shared>> -> memref<64x128xf32, #tpu.memory_space<vmem_shared>>
        tpu.enqueue_dma source(%dma_start3A_597 : memref<64x128xf32, #tpu.memory_space<vmem_shared>>) target(%dma_start3A_593 : memref<64x128xf32, #tpu.memory_space<hbm>>) target_semaphore(%arg23 : memref<!tpu.dma_semaphore, #tpu.memory_space<semaphore_mem>>)
      } else {
      }
      %add3A_409 = arith.constant 3 : i32
      %add3A_410 = arith.addi %add3A_343, %add3A_409 : i32
      %lt3A_411 = arith.constant 40 : i32
      %lt3A_412 = arith.cmpi slt, %add3A_410, %lt3A_411 : i32
      %convert_element_type3A_413 = arith.extui %lt3A_412 : i1 to i32
      %cond3A_414 = arith.constant 0 : i32
      %cond3A_415 = arith.cmpi ne, %convert_element_type3A_413, %cond3A_414 : i32
      scf.if %cond3A_415 {
        %add3A_568 = arith.constant 3 : i32
        %add3A_569 = arith.addi %add3A_343, %add3A_568 : i32
        %jit3A_570 = arith.constant 2 : i32
        %div3A_571 = arith.divsi %add3A_569, %jit3A_570 : i32
        %sign3A_572 = arith.constant 0 : i32
        %sign3A_573 = arith.cmpi sgt, %add3A_569, %sign3A_572 : i32
        %sign3A_574 = arith.extui %sign3A_573 : i1 to i32
        %sign3A_575 = arith.constant 0 : i32
        %sign3A_576 = arith.cmpi slt, %add3A_569, %sign3A_575 : i32
        %sign3A_577 = arith.extui %sign3A_576 : i1 to i32
        %sign3A_578 = arith.subi %sign3A_574, %sign3A_577 : i32
        %sign3A_579 = arith.constant 0 : i32
        %sign3A_580 = arith.cmpi sgt, %jit3A_570, %sign3A_579 : i32
        %sign3A_581 = arith.extui %sign3A_580 : i1 to i32
        %sign3A_582 = arith.constant 0 : i32
        %sign3A_583 = arith.cmpi slt, %jit3A_570, %sign3A_582 : i32
        %sign3A_584 = arith.extui %sign3A_583 : i1 to i32
        %sign3A_585 = arith.subi %sign3A_581, %sign3A_584 : i32
        %ne3A_586 = arith.cmpi ne, %sign3A_578, %sign3A_585 : i32
        %rem3A_587 = arith.remsi %add3A_569, %jit3A_570 : i32
        %ne3A_588 = arith.constant 0 : i32
        %ne3A_589 = arith.cmpi ne, %rem3A_587, %ne3A_588 : i32
        %and3A_590 = arith.andi %ne3A_586, %ne3A_589 : i1
        %sub3A_591 = arith.constant 1 : i32
        %sub3A_592 = arith.subi %div3A_571, %sub3A_591 : i32
        %select_n3A_593 = arith.select %and3A_590, %sub3A_592, %div3A_571 : i32
        %add3A_594 = arith.constant 30 : i32
        %add3A_595 = arith.addi %add3A_594, %select_n3A_593 : i32
        %dma_start3A_596 = arith.constant 0 : i32
        %dma_start3A_597 = arith.constant 0 : i32
        %dma_start3A_598 = arith.constant 0 : i32
        %dma_start3A_599 = tpu.memref_slice %arg7[%dma_start3A_596, %dma_start3A_597, %dma_start3A_598] : memref<4x64x128xf32, #tpu.memory_space<vmem>> -> memref<1x64x128xf32, #tpu.memory_space<vmem>>
        %dma_start3A_600 = tpu.memref_squeeze %dma_start3A_599 : memref<1x64x128xf32, #tpu.memory_space<vmem>> -> memref<64x128xf32, #tpu.memory_space<vmem>>
        %dma_start3A_601 = arith.constant 0 : i32
        %dma_start3A_602 = tpu.memref_slice %arg5[%add3A_595, %dma_start3A_601] : memref<50x128xi32, #tpu.memory_space<vmem>> -> memref<1x64xi32, #tpu.memory_space<vmem>>
        %dma_start3A_603 = tpu.memref_squeeze %dma_start3A_602 : memref<1x64xi32, #tpu.memory_space<vmem>> -> memref<64xi32, #tpu.memory_space<vmem>>
        %dma_start3A_604 = arith.constant 0 : i32
        %dma_start3A_605 = arith.constant 0 : i32
        %dma_start3A_606 = tpu.memref_slice %arg3[%dma_start3A_604, %dma_start3A_605] : memref<1000000x128xf32, #tpu.memory_space<hbm>> -> memref<1000000x128xf32, #tpu.memory_space<hbm>>
        tpu.enqueue_indirect_dma source(%dma_start3A_606 : memref<1000000x128xf32, #tpu.memory_space<hbm>>) target(%dma_start3A_600 : memref<64x128xf32, #tpu.memory_space<vmem>>) offsets(%dma_start3A_603 : memref<64xi32, #tpu.memory_space<vmem>>) semaphore(%arg15 : memref<!tpu.dma_semaphore, #tpu.memory_space<semaphore_mem>>)
      } else {
      }
      %mul3A_416 = arith.constant 4 : i32
      %mul3A_417 = arith.muli %mul3A_416, %scan3A_146 : i32
      %add3A_418 = arith.constant 2 : i32
      %add3A_419 = arith.addi %mul3A_417, %add3A_418 : i32
      %jit3A_420 = arith.constant 2 : i32
      %div3A_421 = arith.divsi %add3A_419, %jit3A_420 : i32
      %sign3A_422 = arith.constant 0 : i32
      %sign3A_423 = arith.cmpi sgt, %add3A_419, %sign3A_422 : i32
      %sign3A_424 = arith.extui %sign3A_423 : i1 to i32
      %sign3A_425 = arith.constant 0 : i32
      %sign3A_426 = arith.cmpi slt, %add3A_419, %sign3A_425 : i32
      %sign3A_427 = arith.extui %sign3A_426 : i1 to i32
      %sign3A_428 = arith.subi %sign3A_424, %sign3A_427 : i32
      %sign3A_429 = arith.constant 0 : i32
      %sign3A_430 = arith.cmpi sgt, %jit3A_420, %sign3A_429 : i32
      %sign3A_431 = arith.extui %sign3A_430 : i1 to i32
      %sign3A_432 = arith.constant 0 : i32
      %sign3A_433 = arith.cmpi slt, %jit3A_420, %sign3A_432 : i32
      %sign3A_434 = arith.extui %sign3A_433 : i1 to i32
      %sign3A_435 = arith.subi %sign3A_431, %sign3A_434 : i32
      %ne3A_436 = arith.cmpi ne, %sign3A_428, %sign3A_435 : i32
      %rem3A_437 = arith.remsi %add3A_419, %jit3A_420 : i32
      %ne3A_438 = arith.constant 0 : i32
      %ne3A_439 = arith.cmpi ne, %rem3A_437, %ne3A_438 : i32
      %and3A_440 = arith.andi %ne3A_436, %ne3A_439 : i1
      %sub3A_441 = arith.constant 1 : i32
      %sub3A_442 = arith.subi %div3A_421, %sub3A_441 : i32
      %select_n3A_443 = arith.select %and3A_440, %sub3A_442, %div3A_421 : i32
      %add3A_444 = arith.constant 30 : i32
      %add3A_445 = arith.addi %add3A_444, %select_n3A_443 : i32
      %dma_wait3A_446 = arith.constant 2 : i32
      %dma_wait3A_447 = arith.constant 0 : i32
      %dma_wait3A_448 = arith.constant 0 : i32
      %dma_wait3A_449 = tpu.memref_slice %arg7[%dma_wait3A_446, %dma_wait3A_447, %dma_wait3A_448] : memref<4x64x128xf32, #tpu.memory_space<vmem>> -> memref<1x64x128xf32, #tpu.memory_space<vmem>>
      %dma_wait3A_450 = tpu.memref_squeeze %dma_wait3A_449 : memref<1x64x128xf32, #tpu.memory_space<vmem>> -> memref<64x128xf32, #tpu.memory_space<vmem>>
      %dma_wait3A_451 = arith.constant 0 : i32
      %dma_wait3A_452 = tpu.memref_slice %arg5[%add3A_445, %dma_wait3A_451] : memref<50x128xi32, #tpu.memory_space<vmem>> -> memref<1x64xi32, #tpu.memory_space<vmem>>
      %dma_wait3A_453 = tpu.memref_squeeze %dma_wait3A_452 : memref<1x64xi32, #tpu.memory_space<vmem>> -> memref<64xi32, #tpu.memory_space<vmem>>
      %dma_wait3A_454 = arith.constant 0 : i32
      %dma_wait3A_455 = arith.constant 0 : i32
      %dma_wait3A_456 = tpu.memref_slice %arg3[%dma_wait3A_454, %dma_wait3A_455] : memref<1000000x128xf32, #tpu.memory_space<hbm>> -> memref<1000000x128xf32, #tpu.memory_space<hbm>>
      tpu.wait_indirect_dma semaphore(%arg17 : memref<!tpu.dma_semaphore, #tpu.memory_space<semaphore_mem>>) src(%dma_wait3A_456 : memref<1000000x128xf32, #tpu.memory_space<hbm>>) dst(%dma_wait3A_450 : memref<64x128xf32, #tpu.memory_space<vmem>>)
      %ge3A_457 = arith.constant 4 : i32
      %ge3A_458 = arith.cmpi sge, %add3A_419, %ge3A_457 : i32
      %convert_element_type3A_459 = arith.extui %ge3A_458 : i1 to i32
      %cond3A_460 = arith.constant 0 : i32
      %cond3A_461 = arith.cmpi ne, %convert_element_type3A_459, %cond3A_460 : i32
      scf.if %cond3A_461 {
        %sub3A_568 = arith.constant 4 : i32
        %sub3A_569 = arith.subi %add3A_419, %sub3A_568 : i32
        %mul3A_570 = arith.constant 64 : i32
        %mul3A_571 = arith.muli %sub3A_569, %mul3A_570 : i32
        %add3A_572 = arith.addi %add3A_4, %mul3A_571 : i32
        %dma_wait3A_573 = arith.constant 2 : i32
        %dma_wait3A_574 = arith.constant 0 : i32
        %dma_wait3A_575 = tpu.memref_slice %arg4[%add3A_572, %dma_wait3A_574] : memref<204800x128xf32, #tpu.memory_space<hbm>> -> memref<64x128xf32, #tpu.memory_space<hbm>>
        %dma_wait3A_576 = arith.constant 0 : i32
        %dma_wait3A_577 = arith.constant 0 : i32
        %dma_wait3A_578 = tpu.memref_slice %arg8[%arg1, %dma_wait3A_573, %dma_wait3A_576, %dma_wait3A_577] : memref<16x4x64x128xf32, #tpu.memory_space<vmem_shared>> -> memref<1x1x64x128xf32, #tpu.memory_space<vmem_shared>>
        %dma_wait3A_579 = tpu.memref_squeeze %dma_wait3A_578 : memref<1x1x64x128xf32, #tpu.memory_space<vmem_shared>> -> memref<64x128xf32, #tpu.memory_space<vmem_shared>>
        tpu.wait_dma2 semaphore(%arg25 : memref<!tpu.dma_semaphore, #tpu.memory_space<semaphore_mem>>) src(%dma_wait3A_579 : memref<64x128xf32, #tpu.memory_space<vmem_shared>>) dst(%dma_wait3A_575 : memref<64x128xf32, #tpu.memory_space<hbm>>)
      } else {
      }
      %dma_start3A_462 = arith.constant 2 : i32
      %dma_start3A_463 = arith.constant 2 : i32
      %dma_start3A_464 = arith.constant 0 : i32
      %dma_start3A_465 = arith.constant 0 : i32
      %dma_start3A_466 = tpu.memref_slice %arg7[%dma_start3A_462, %dma_start3A_464, %dma_start3A_465] : memref<4x64x128xf32, #tpu.memory_space<vmem>> -> memref<1x64x128xf32, #tpu.memory_space<vmem>>
      %dma_start3A_467 = tpu.memref_squeeze %dma_start3A_466 : memref<1x64x128xf32, #tpu.memory_space<vmem>> -> memref<64x128xf32, #tpu.memory_space<vmem>>
      %dma_start3A_468 = arith.constant 0 : i32
      %dma_start3A_469 = arith.constant 0 : i32
      %dma_start3A_470 = tpu.memref_slice %arg8[%arg1, %dma_start3A_463, %dma_start3A_468, %dma_start3A_469] : memref<16x4x64x128xf32, #tpu.memory_space<vmem_shared>> -> memref<1x1x64x128xf32, #tpu.memory_space<vmem_shared>>
      %dma_start3A_471 = tpu.memref_squeeze %dma_start3A_470 : memref<1x1x64x128xf32, #tpu.memory_space<vmem_shared>> -> memref<64x128xf32, #tpu.memory_space<vmem_shared>>
      %dma_start3A_472 = arith.constant 0 : i32
      %dma_start3A_473 = arith.constant 0 : i32
      %dma_start3A_474 = tpu.memref_slice %arg8[%arg1, %dma_start3A_463, %dma_start3A_472, %dma_start3A_473] : memref<16x4x64x128xf32, #tpu.memory_space<vmem_shared>> -> memref<1x1x64x128xf32, #tpu.memory_space<vmem_shared>>
      %dma_start3A_475 = tpu.memref_squeeze %dma_start3A_474 : memref<1x1x64x128xf32, #tpu.memory_space<vmem_shared>> -> memref<64x128xf32, #tpu.memory_space<vmem_shared>>
      %dma_start3A_476 = arith.constant 0 : i32
      %dma_start3A_477 = arith.constant 0 : i32
      %dma_start3A_478 = tpu.memref_slice %arg7[%dma_start3A_462, %dma_start3A_476, %dma_start3A_477] : memref<4x64x128xf32, #tpu.memory_space<vmem>> -> memref<1x64x128xf32, #tpu.memory_space<vmem>>
      %dma_start3A_479 = tpu.memref_squeeze %dma_start3A_478 : memref<1x64x128xf32, #tpu.memory_space<vmem>> -> memref<64x128xf32, #tpu.memory_space<vmem>>
      tpu.enqueue_dma source(%dma_start3A_479 : memref<64x128xf32, #tpu.memory_space<vmem>>) target(%dma_start3A_475 : memref<64x128xf32, #tpu.memory_space<vmem_shared>>) target_semaphore(%arg21 : memref<!tpu.dma_semaphore, #tpu.memory_space<semaphore_mem>>)
      %ge3A_480 = arith.constant 1 : i32
      %ge3A_481 = arith.cmpi sge, %add3A_419, %ge3A_480 : i32
      %convert_element_type3A_482 = arith.extui %ge3A_481 : i1 to i32
      %cond3A_483 = arith.constant 0 : i32
      %cond3A_484 = arith.cmpi ne, %convert_element_type3A_482, %cond3A_483 : i32
      scf.if %cond3A_484 {
        %dma_wait3A_568 = arith.constant 1 : i32
        %dma_wait3A_569 = arith.constant 1 : i32
        %dma_wait3A_570 = arith.constant 0 : i32
        %dma_wait3A_571 = arith.constant 0 : i32
        %dma_wait3A_572 = tpu.memref_slice %arg7[%dma_wait3A_568, %dma_wait3A_570, %dma_wait3A_571] : memref<4x64x128xf32, #tpu.memory_space<vmem>> -> memref<1x64x128xf32, #tpu.memory_space<vmem>>
        %dma_wait3A_573 = tpu.memref_squeeze %dma_wait3A_572 : memref<1x64x128xf32, #tpu.memory_space<vmem>> -> memref<64x128xf32, #tpu.memory_space<vmem>>
        %dma_wait3A_574 = arith.constant 0 : i32
        %dma_wait3A_575 = arith.constant 0 : i32
        %dma_wait3A_576 = tpu.memref_slice %arg8[%arg1, %dma_wait3A_569, %dma_wait3A_574, %dma_wait3A_575] : memref<16x4x64x128xf32, #tpu.memory_space<vmem_shared>> -> memref<1x1x64x128xf32, #tpu.memory_space<vmem_shared>>
        %dma_wait3A_577 = tpu.memref_squeeze %dma_wait3A_576 : memref<1x1x64x128xf32, #tpu.memory_space<vmem_shared>> -> memref<64x128xf32, #tpu.memory_space<vmem_shared>>
        %dma_wait3A_578 = arith.constant 0 : i32
        %dma_wait3A_579 = arith.constant 0 : i32
        %dma_wait3A_580 = tpu.memref_slice %arg8[%arg1, %dma_wait3A_569, %dma_wait3A_578, %dma_wait3A_579] : memref<16x4x64x128xf32, #tpu.memory_space<vmem_shared>> -> memref<1x1x64x128xf32, #tpu.memory_space<vmem_shared>>
        %dma_wait3A_581 = tpu.memref_squeeze %dma_wait3A_580 : memref<1x1x64x128xf32, #tpu.memory_space<vmem_shared>> -> memref<64x128xf32, #tpu.memory_space<vmem_shared>>
        %dma_wait3A_582 = arith.constant 0 : i32
        %dma_wait3A_583 = arith.constant 0 : i32
        %dma_wait3A_584 = tpu.memref_slice %arg7[%dma_wait3A_568, %dma_wait3A_582, %dma_wait3A_583] : memref<4x64x128xf32, #tpu.memory_space<vmem>> -> memref<1x64x128xf32, #tpu.memory_space<vmem>>
        %dma_wait3A_585 = tpu.memref_squeeze %dma_wait3A_584 : memref<1x64x128xf32, #tpu.memory_space<vmem>> -> memref<64x128xf32, #tpu.memory_space<vmem>>
        tpu.wait_dma2 semaphore(%arg20 : memref<!tpu.dma_semaphore, #tpu.memory_space<semaphore_mem>>) src(%dma_wait3A_585 : memref<64x128xf32, #tpu.memory_space<vmem>>) dst(%dma_wait3A_581 : memref<64x128xf32, #tpu.memory_space<vmem_shared>>)
        %sub3A_586 = arith.constant 1 : i32
        %sub3A_587 = arith.subi %add3A_419, %sub3A_586 : i32
        %mul3A_588 = arith.constant 64 : i32
        %mul3A_589 = arith.muli %sub3A_587, %mul3A_588 : i32
        %add3A_590 = arith.addi %add3A_4, %mul3A_589 : i32
        %dma_start3A_591 = arith.constant 1 : i32
        %dma_start3A_592 = arith.constant 0 : i32
        %dma_start3A_593 = tpu.memref_slice %arg4[%add3A_590, %dma_start3A_592] : memref<204800x128xf32, #tpu.memory_space<hbm>> -> memref<64x128xf32, #tpu.memory_space<hbm>>
        %dma_start3A_594 = arith.constant 0 : i32
        %dma_start3A_595 = arith.constant 0 : i32
        %dma_start3A_596 = tpu.memref_slice %arg8[%arg1, %dma_start3A_591, %dma_start3A_594, %dma_start3A_595] : memref<16x4x64x128xf32, #tpu.memory_space<vmem_shared>> -> memref<1x1x64x128xf32, #tpu.memory_space<vmem_shared>>
        %dma_start3A_597 = tpu.memref_squeeze %dma_start3A_596 : memref<1x1x64x128xf32, #tpu.memory_space<vmem_shared>> -> memref<64x128xf32, #tpu.memory_space<vmem_shared>>
        tpu.enqueue_dma source(%dma_start3A_597 : memref<64x128xf32, #tpu.memory_space<vmem_shared>>) target(%dma_start3A_593 : memref<64x128xf32, #tpu.memory_space<hbm>>) target_semaphore(%arg24 : memref<!tpu.dma_semaphore, #tpu.memory_space<semaphore_mem>>)
      } else {
      }
      %add3A_485 = arith.constant 3 : i32
      %add3A_486 = arith.addi %add3A_419, %add3A_485 : i32
      %lt3A_487 = arith.constant 40 : i32
      %lt3A_488 = arith.cmpi slt, %add3A_486, %lt3A_487 : i32
      %convert_element_type3A_489 = arith.extui %lt3A_488 : i1 to i32
      %cond3A_490 = arith.constant 0 : i32
      %cond3A_491 = arith.cmpi ne, %convert_element_type3A_489, %cond3A_490 : i32
      scf.if %cond3A_491 {
        %add3A_568 = arith.constant 3 : i32
        %add3A_569 = arith.addi %add3A_419, %add3A_568 : i32
        %jit3A_570 = arith.constant 2 : i32
        %div3A_571 = arith.divsi %add3A_569, %jit3A_570 : i32
        %sign3A_572 = arith.constant 0 : i32
        %sign3A_573 = arith.cmpi sgt, %add3A_569, %sign3A_572 : i32
        %sign3A_574 = arith.extui %sign3A_573 : i1 to i32
        %sign3A_575 = arith.constant 0 : i32
        %sign3A_576 = arith.cmpi slt, %add3A_569, %sign3A_575 : i32
        %sign3A_577 = arith.extui %sign3A_576 : i1 to i32
        %sign3A_578 = arith.subi %sign3A_574, %sign3A_577 : i32
        %sign3A_579 = arith.constant 0 : i32
        %sign3A_580 = arith.cmpi sgt, %jit3A_570, %sign3A_579 : i32
        %sign3A_581 = arith.extui %sign3A_580 : i1 to i32
        %sign3A_582 = arith.constant 0 : i32
        %sign3A_583 = arith.cmpi slt, %jit3A_570, %sign3A_582 : i32
        %sign3A_584 = arith.extui %sign3A_583 : i1 to i32
        %sign3A_585 = arith.subi %sign3A_581, %sign3A_584 : i32
        %ne3A_586 = arith.cmpi ne, %sign3A_578, %sign3A_585 : i32
        %rem3A_587 = arith.remsi %add3A_569, %jit3A_570 : i32
        %ne3A_588 = arith.constant 0 : i32
        %ne3A_589 = arith.cmpi ne, %rem3A_587, %ne3A_588 : i32
        %and3A_590 = arith.andi %ne3A_586, %ne3A_589 : i1
        %sub3A_591 = arith.constant 1 : i32
        %sub3A_592 = arith.subi %div3A_571, %sub3A_591 : i32
        %select_n3A_593 = arith.select %and3A_590, %sub3A_592, %div3A_571 : i32
        %add3A_594 = arith.constant 30 : i32
        %add3A_595 = arith.addi %add3A_594, %select_n3A_593 : i32
        %dma_start3A_596 = arith.constant 1 : i32
        %dma_start3A_597 = arith.constant 0 : i32
        %dma_start3A_598 = arith.constant 0 : i32
        %dma_start3A_599 = tpu.memref_slice %arg7[%dma_start3A_596, %dma_start3A_597, %dma_start3A_598] : memref<4x64x128xf32, #tpu.memory_space<vmem>> -> memref<1x64x128xf32, #tpu.memory_space<vmem>>
        %dma_start3A_600 = tpu.memref_squeeze %dma_start3A_599 : memref<1x64x128xf32, #tpu.memory_space<vmem>> -> memref<64x128xf32, #tpu.memory_space<vmem>>
        %dma_start3A_601 = arith.constant 64 : i32
        %dma_start3A_602 = tpu.memref_slice %arg5[%add3A_595, %dma_start3A_601] : memref<50x128xi32, #tpu.memory_space<vmem>> -> memref<1x64xi32, #tpu.memory_space<vmem>>
        %dma_start3A_603 = tpu.memref_squeeze %dma_start3A_602 : memref<1x64xi32, #tpu.memory_space<vmem>> -> memref<64xi32, #tpu.memory_space<vmem>>
        %dma_start3A_604 = arith.constant 0 : i32
        %dma_start3A_605 = arith.constant 0 : i32
        %dma_start3A_606 = tpu.memref_slice %arg3[%dma_start3A_604, %dma_start3A_605] : memref<1000000x128xf32, #tpu.memory_space<hbm>> -> memref<1000000x128xf32, #tpu.memory_space<hbm>>
        tpu.enqueue_indirect_dma source(%dma_start3A_606 : memref<1000000x128xf32, #tpu.memory_space<hbm>>) target(%dma_start3A_600 : memref<64x128xf32, #tpu.memory_space<vmem>>) offsets(%dma_start3A_603 : memref<64xi32, #tpu.memory_space<vmem>>) semaphore(%arg16 : memref<!tpu.dma_semaphore, #tpu.memory_space<semaphore_mem>>)
      } else {
      }
      %mul3A_492 = arith.constant 4 : i32
      %mul3A_493 = arith.muli %mul3A_492, %scan3A_146 : i32
      %add3A_494 = arith.constant 3 : i32
      %add3A_495 = arith.addi %mul3A_493, %add3A_494 : i32
      %jit3A_496 = arith.constant 2 : i32
      %div3A_497 = arith.divsi %add3A_495, %jit3A_496 : i32
      %sign3A_498 = arith.constant 0 : i32
      %sign3A_499 = arith.cmpi sgt, %add3A_495, %sign3A_498 : i32
      %sign3A_500 = arith.extui %sign3A_499 : i1 to i32
      %sign3A_501 = arith.constant 0 : i32
      %sign3A_502 = arith.cmpi slt, %add3A_495, %sign3A_501 : i32
      %sign3A_503 = arith.extui %sign3A_502 : i1 to i32
      %sign3A_504 = arith.subi %sign3A_500, %sign3A_503 : i32
      %sign3A_505 = arith.constant 0 : i32
      %sign3A_506 = arith.cmpi sgt, %jit3A_496, %sign3A_505 : i32
      %sign3A_507 = arith.extui %sign3A_506 : i1 to i32
      %sign3A_508 = arith.constant 0 : i32
      %sign3A_509 = arith.cmpi slt, %jit3A_496, %sign3A_508 : i32
      %sign3A_510 = arith.extui %sign3A_509 : i1 to i32
      %sign3A_511 = arith.subi %sign3A_507, %sign3A_510 : i32
      %ne3A_512 = arith.cmpi ne, %sign3A_504, %sign3A_511 : i32
      %rem3A_513 = arith.remsi %add3A_495, %jit3A_496 : i32
      %ne3A_514 = arith.constant 0 : i32
      %ne3A_515 = arith.cmpi ne, %rem3A_513, %ne3A_514 : i32
      %and3A_516 = arith.andi %ne3A_512, %ne3A_515 : i1
      %sub3A_517 = arith.constant 1 : i32
      %sub3A_518 = arith.subi %div3A_497, %sub3A_517 : i32
      %select_n3A_519 = arith.select %and3A_516, %sub3A_518, %div3A_497 : i32
      %add3A_520 = arith.constant 30 : i32
      %add3A_521 = arith.addi %add3A_520, %select_n3A_519 : i32
      %dma_wait3A_522 = arith.constant 3 : i32
      %dma_wait3A_523 = arith.constant 0 : i32
      %dma_wait3A_524 = arith.constant 0 : i32
      %dma_wait3A_525 = tpu.memref_slice %arg7[%dma_wait3A_522, %dma_wait3A_523, %dma_wait3A_524] : memref<4x64x128xf32, #tpu.memory_space<vmem>> -> memref<1x64x128xf32, #tpu.memory_space<vmem>>
      %dma_wait3A_526 = tpu.memref_squeeze %dma_wait3A_525 : memref<1x64x128xf32, #tpu.memory_space<vmem>> -> memref<64x128xf32, #tpu.memory_space<vmem>>
      %dma_wait3A_527 = arith.constant 64 : i32
      %dma_wait3A_528 = tpu.memref_slice %arg5[%add3A_521, %dma_wait3A_527] : memref<50x128xi32, #tpu.memory_space<vmem>> -> memref<1x64xi32, #tpu.memory_space<vmem>>
      %dma_wait3A_529 = tpu.memref_squeeze %dma_wait3A_528 : memref<1x64xi32, #tpu.memory_space<vmem>> -> memref<64xi32, #tpu.memory_space<vmem>>
      %dma_wait3A_530 = arith.constant 0 : i32
      %dma_wait3A_531 = arith.constant 0 : i32
      %dma_wait3A_532 = tpu.memref_slice %arg3[%dma_wait3A_530, %dma_wait3A_531] : memref<1000000x128xf32, #tpu.memory_space<hbm>> -> memref<1000000x128xf32, #tpu.memory_space<hbm>>
      tpu.wait_indirect_dma semaphore(%arg18 : memref<!tpu.dma_semaphore, #tpu.memory_space<semaphore_mem>>) src(%dma_wait3A_532 : memref<1000000x128xf32, #tpu.memory_space<hbm>>) dst(%dma_wait3A_526 : memref<64x128xf32, #tpu.memory_space<vmem>>)
      %ge3A_533 = arith.constant 4 : i32
      %ge3A_534 = arith.cmpi sge, %add3A_495, %ge3A_533 : i32
      %convert_element_type3A_535 = arith.extui %ge3A_534 : i1 to i32
      %cond3A_536 = arith.constant 0 : i32
      %cond3A_537 = arith.cmpi ne, %convert_element_type3A_535, %cond3A_536 : i32
      scf.if %cond3A_537 {
        %sub3A_568 = arith.constant 4 : i32
        %sub3A_569 = arith.subi %add3A_495, %sub3A_568 : i32
        %mul3A_570 = arith.constant 64 : i32
        %mul3A_571 = arith.muli %sub3A_569, %mul3A_570 : i32
        %add3A_572 = arith.addi %add3A_4, %mul3A_571 : i32
        %dma_wait3A_573 = arith.constant 3 : i32
        %dma_wait3A_574 = arith.constant 0 : i32
        %dma_wait3A_575 = tpu.memref_slice %arg4[%add3A_572, %dma_wait3A_574] : memref<204800x128xf32, #tpu.memory_space<hbm>> -> memref<64x128xf32, #tpu.memory_space<hbm>>
        %dma_wait3A_576 = arith.constant 0 : i32
        %dma_wait3A_577 = arith.constant 0 : i32
        %dma_wait3A_578 = tpu.memref_slice %arg8[%arg1, %dma_wait3A_573, %dma_wait3A_576, %dma_wait3A_577] : memref<16x4x64x128xf32, #tpu.memory_space<vmem_shared>> -> memref<1x1x64x128xf32, #tpu.memory_space<vmem_shared>>
        %dma_wait3A_579 = tpu.memref_squeeze %dma_wait3A_578 : memref<1x1x64x128xf32, #tpu.memory_space<vmem_shared>> -> memref<64x128xf32, #tpu.memory_space<vmem_shared>>
        tpu.wait_dma2 semaphore(%arg26 : memref<!tpu.dma_semaphore, #tpu.memory_space<semaphore_mem>>) src(%dma_wait3A_579 : memref<64x128xf32, #tpu.memory_space<vmem_shared>>) dst(%dma_wait3A_575 : memref<64x128xf32, #tpu.memory_space<hbm>>)
      } else {
      }
      %dma_start3A_538 = arith.constant 3 : i32
      %dma_start3A_539 = arith.constant 3 : i32
      %dma_start3A_540 = arith.constant 0 : i32
      %dma_start3A_541 = arith.constant 0 : i32
      %dma_start3A_542 = tpu.memref_slice %arg7[%dma_start3A_538, %dma_start3A_540, %dma_start3A_541] : memref<4x64x128xf32, #tpu.memory_space<vmem>> -> memref<1x64x128xf32, #tpu.memory_space<vmem>>
      %dma_start3A_543 = tpu.memref_squeeze %dma_start3A_542 : memref<1x64x128xf32, #tpu.memory_space<vmem>> -> memref<64x128xf32, #tpu.memory_space<vmem>>
      %dma_start3A_544 = arith.constant 0 : i32
      %dma_start3A_545 = arith.constant 0 : i32
      %dma_start3A_546 = tpu.memref_slice %arg8[%arg1, %dma_start3A_539, %dma_start3A_544, %dma_start3A_545] : memref<16x4x64x128xf32, #tpu.memory_space<vmem_shared>> -> memref<1x1x64x128xf32, #tpu.memory_space<vmem_shared>>
      %dma_start3A_547 = tpu.memref_squeeze %dma_start3A_546 : memref<1x1x64x128xf32, #tpu.memory_space<vmem_shared>> -> memref<64x128xf32, #tpu.memory_space<vmem_shared>>
      %dma_start3A_548 = arith.constant 0 : i32
      %dma_start3A_549 = arith.constant 0 : i32
      %dma_start3A_550 = tpu.memref_slice %arg8[%arg1, %dma_start3A_539, %dma_start3A_548, %dma_start3A_549] : memref<16x4x64x128xf32, #tpu.memory_space<vmem_shared>> -> memref<1x1x64x128xf32, #tpu.memory_space<vmem_shared>>
      %dma_start3A_551 = tpu.memref_squeeze %dma_start3A_550 : memref<1x1x64x128xf32, #tpu.memory_space<vmem_shared>> -> memref<64x128xf32, #tpu.memory_space<vmem_shared>>
      %dma_start3A_552 = arith.constant 0 : i32
      %dma_start3A_553 = arith.constant 0 : i32
      %dma_start3A_554 = tpu.memref_slice %arg7[%dma_start3A_538, %dma_start3A_552, %dma_start3A_553] : memref<4x64x128xf32, #tpu.memory_space<vmem>> -> memref<1x64x128xf32, #tpu.memory_space<vmem>>
      %dma_start3A_555 = tpu.memref_squeeze %dma_start3A_554 : memref<1x64x128xf32, #tpu.memory_space<vmem>> -> memref<64x128xf32, #tpu.memory_space<vmem>>
      tpu.enqueue_dma source(%dma_start3A_555 : memref<64x128xf32, #tpu.memory_space<vmem>>) target(%dma_start3A_551 : memref<64x128xf32, #tpu.memory_space<vmem_shared>>) target_semaphore(%arg22 : memref<!tpu.dma_semaphore, #tpu.memory_space<semaphore_mem>>)
      %ge3A_556 = arith.constant 1 : i32
      %ge3A_557 = arith.cmpi sge, %add3A_495, %ge3A_556 : i32
      %convert_element_type3A_558 = arith.extui %ge3A_557 : i1 to i32
      %cond3A_559 = arith.constant 0 : i32
      %cond3A_560 = arith.cmpi ne, %convert_element_type3A_558, %cond3A_559 : i32
      scf.if %cond3A_560 {
        %dma_wait3A_568 = arith.constant 2 : i32
        %dma_wait3A_569 = arith.constant 2 : i32
        %dma_wait3A_570 = arith.constant 0 : i32
        %dma_wait3A_571 = arith.constant 0 : i32
        %dma_wait3A_572 = tpu.memref_slice %arg7[%dma_wait3A_568, %dma_wait3A_570, %dma_wait3A_571] : memref<4x64x128xf32, #tpu.memory_space<vmem>> -> memref<1x64x128xf32, #tpu.memory_space<vmem>>
        %dma_wait3A_573 = tpu.memref_squeeze %dma_wait3A_572 : memref<1x64x128xf32, #tpu.memory_space<vmem>> -> memref<64x128xf32, #tpu.memory_space<vmem>>
        %dma_wait3A_574 = arith.constant 0 : i32
        %dma_wait3A_575 = arith.constant 0 : i32
        %dma_wait3A_576 = tpu.memref_slice %arg8[%arg1, %dma_wait3A_569, %dma_wait3A_574, %dma_wait3A_575] : memref<16x4x64x128xf32, #tpu.memory_space<vmem_shared>> -> memref<1x1x64x128xf32, #tpu.memory_space<vmem_shared>>
        %dma_wait3A_577 = tpu.memref_squeeze %dma_wait3A_576 : memref<1x1x64x128xf32, #tpu.memory_space<vmem_shared>> -> memref<64x128xf32, #tpu.memory_space<vmem_shared>>
        %dma_wait3A_578 = arith.constant 0 : i32
        %dma_wait3A_579 = arith.constant 0 : i32
        %dma_wait3A_580 = tpu.memref_slice %arg8[%arg1, %dma_wait3A_569, %dma_wait3A_578, %dma_wait3A_579] : memref<16x4x64x128xf32, #tpu.memory_space<vmem_shared>> -> memref<1x1x64x128xf32, #tpu.memory_space<vmem_shared>>
        %dma_wait3A_581 = tpu.memref_squeeze %dma_wait3A_580 : memref<1x1x64x128xf32, #tpu.memory_space<vmem_shared>> -> memref<64x128xf32, #tpu.memory_space<vmem_shared>>
        %dma_wait3A_582 = arith.constant 0 : i32
        %dma_wait3A_583 = arith.constant 0 : i32
        %dma_wait3A_584 = tpu.memref_slice %arg7[%dma_wait3A_568, %dma_wait3A_582, %dma_wait3A_583] : memref<4x64x128xf32, #tpu.memory_space<vmem>> -> memref<1x64x128xf32, #tpu.memory_space<vmem>>
        %dma_wait3A_585 = tpu.memref_squeeze %dma_wait3A_584 : memref<1x64x128xf32, #tpu.memory_space<vmem>> -> memref<64x128xf32, #tpu.memory_space<vmem>>
        tpu.wait_dma2 semaphore(%arg21 : memref<!tpu.dma_semaphore, #tpu.memory_space<semaphore_mem>>) src(%dma_wait3A_585 : memref<64x128xf32, #tpu.memory_space<vmem>>) dst(%dma_wait3A_581 : memref<64x128xf32, #tpu.memory_space<vmem_shared>>)
        %sub3A_586 = arith.constant 1 : i32
        %sub3A_587 = arith.subi %add3A_495, %sub3A_586 : i32
        %mul3A_588 = arith.constant 64 : i32
        %mul3A_589 = arith.muli %sub3A_587, %mul3A_588 : i32
        %add3A_590 = arith.addi %add3A_4, %mul3A_589 : i32
        %dma_start3A_591 = arith.constant 2 : i32
        %dma_start3A_592 = arith.constant 0 : i32
        %dma_start3A_593 = tpu.memref_slice %arg4[%add3A_590, %dma_start3A_592] : memref<204800x128xf32, #tpu.memory_space<hbm>> -> memref<64x128xf32, #tpu.memory_space<hbm>>
        %dma_start3A_594 = arith.constant 0 : i32
        %dma_start3A_595 = arith.constant 0 : i32
        %dma_start3A_596 = tpu.memref_slice %arg8[%arg1, %dma_start3A_591, %dma_start3A_594, %dma_start3A_595] : memref<16x4x64x128xf32, #tpu.memory_space<vmem_shared>> -> memref<1x1x64x128xf32, #tpu.memory_space<vmem_shared>>
        %dma_start3A_597 = tpu.memref_squeeze %dma_start3A_596 : memref<1x1x64x128xf32, #tpu.memory_space<vmem_shared>> -> memref<64x128xf32, #tpu.memory_space<vmem_shared>>
        tpu.enqueue_dma source(%dma_start3A_597 : memref<64x128xf32, #tpu.memory_space<vmem_shared>>) target(%dma_start3A_593 : memref<64x128xf32, #tpu.memory_space<hbm>>) target_semaphore(%arg25 : memref<!tpu.dma_semaphore, #tpu.memory_space<semaphore_mem>>)
      } else {
      }
      %add3A_561 = arith.constant 3 : i32
      %add3A_562 = arith.addi %add3A_495, %add3A_561 : i32
      %lt3A_563 = arith.constant 40 : i32
      %lt3A_564 = arith.cmpi slt, %add3A_562, %lt3A_563 : i32
      %convert_element_type3A_565 = arith.extui %lt3A_564 : i1 to i32
      %cond3A_566 = arith.constant 0 : i32
      %cond3A_567 = arith.cmpi ne, %convert_element_type3A_565, %cond3A_566 : i32
      scf.if %cond3A_567 {
        %add3A_568 = arith.constant 3 : i32
        %add3A_569 = arith.addi %add3A_495, %add3A_568 : i32
        %jit3A_570 = arith.constant 2 : i32
        %div3A_571 = arith.divsi %add3A_569, %jit3A_570 : i32
        %sign3A_572 = arith.constant 0 : i32
        %sign3A_573 = arith.cmpi sgt, %add3A_569, %sign3A_572 : i32
        %sign3A_574 = arith.extui %sign3A_573 : i1 to i32
        %sign3A_575 = arith.constant 0 : i32
        %sign3A_576 = arith.cmpi slt, %add3A_569, %sign3A_575 : i32
        %sign3A_577 = arith.extui %sign3A_576 : i1 to i32
        %sign3A_578 = arith.subi %sign3A_574, %sign3A_577 : i32
        %sign3A_579 = arith.constant 0 : i32
        %sign3A_580 = arith.cmpi sgt, %jit3A_570, %sign3A_579 : i32
        %sign3A_581 = arith.extui %sign3A_580 : i1 to i32
        %sign3A_582 = arith.constant 0 : i32
        %sign3A_583 = arith.cmpi slt, %jit3A_570, %sign3A_582 : i32
        %sign3A_584 = arith.extui %sign3A_583 : i1 to i32
        %sign3A_585 = arith.subi %sign3A_581, %sign3A_584 : i32
        %ne3A_586 = arith.cmpi ne, %sign3A_578, %sign3A_585 : i32
        %rem3A_587 = arith.remsi %add3A_569, %jit3A_570 : i32
        %ne3A_588 = arith.constant 0 : i32
        %ne3A_589 = arith.cmpi ne, %rem3A_587, %ne3A_588 : i32
        %and3A_590 = arith.andi %ne3A_586, %ne3A_589 : i1
        %sub3A_591 = arith.constant 1 : i32
        %sub3A_592 = arith.subi %div3A_571, %sub3A_591 : i32
        %select_n3A_593 = arith.select %and3A_590, %sub3A_592, %div3A_571 : i32
        %add3A_594 = arith.constant 30 : i32
        %add3A_595 = arith.addi %add3A_594, %select_n3A_593 : i32
        %dma_start3A_596 = arith.constant 2 : i32
        %dma_start3A_597 = arith.constant 0 : i32
        %dma_start3A_598 = arith.constant 0 : i32
        %dma_start3A_599 = tpu.memref_slice %arg7[%dma_start3A_596, %dma_start3A_597, %dma_start3A_598] : memref<4x64x128xf32, #tpu.memory_space<vmem>> -> memref<1x64x128xf32, #tpu.memory_space<vmem>>
        %dma_start3A_600 = tpu.memref_squeeze %dma_start3A_599 : memref<1x64x128xf32, #tpu.memory_space<vmem>> -> memref<64x128xf32, #tpu.memory_space<vmem>>
        %dma_start3A_601 = arith.constant 0 : i32
        %dma_start3A_602 = tpu.memref_slice %arg5[%add3A_595, %dma_start3A_601] : memref<50x128xi32, #tpu.memory_space<vmem>> -> memref<1x64xi32, #tpu.memory_space<vmem>>
        %dma_start3A_603 = tpu.memref_squeeze %dma_start3A_602 : memref<1x64xi32, #tpu.memory_space<vmem>> -> memref<64xi32, #tpu.memory_space<vmem>>
        %dma_start3A_604 = arith.constant 0 : i32
        %dma_start3A_605 = arith.constant 0 : i32
        %dma_start3A_606 = tpu.memref_slice %arg3[%dma_start3A_604, %dma_start3A_605] : memref<1000000x128xf32, #tpu.memory_space<hbm>> -> memref<1000000x128xf32, #tpu.memory_space<hbm>>
        tpu.enqueue_indirect_dma source(%dma_start3A_606 : memref<1000000x128xf32, #tpu.memory_space<hbm>>) target(%dma_start3A_600 : memref<64x128xf32, #tpu.memory_space<vmem>>) offsets(%dma_start3A_603 : memref<64xi32, #tpu.memory_space<vmem>>) semaphore(%arg17 : memref<!tpu.dma_semaphore, #tpu.memory_space<semaphore_mem>>)
      } else {
      }
    }
    %scan3A_68 = arith.constant 10 : i32
    %add3A_69 = arith.constant 3712 : i32
    %add3A_70 = arith.addi %mul3A_2, %add3A_69 : i32
    %dma_wait3A = arith.constant 2 : i32
    %dma_wait3A_71 = arith.constant 0 : i32
    %dma_wait3A_72 = arith.constant 0 : i32
    %dma_wait3A_73 = tpu.memref_slice %arg6[%dma_wait3A, %dma_wait3A_71, %dma_wait3A_72] : memref<3x128x128xf32, #tpu.memory_space<vmem>> -> memref<1x128x128xf32, #tpu.memory_space<vmem>>
    %dma_wait3A_74 = tpu.memref_squeeze %dma_wait3A_73 : memref<1x128x128xf32, #tpu.memory_space<vmem>> -> memref<128x128xf32, #tpu.memory_space<vmem>>
    %dma_wait3A_75 = arith.constant 0 : i32
    %dma_wait3A_76 = tpu.memref_slice %arg4[%add3A_70, %dma_wait3A_75] : memref<204800x128xf32, #tpu.memory_space<hbm>> -> memref<128x128xf32, #tpu.memory_space<hbm>>
    %dma_wait3A_77 = arith.constant 0 : i32
    %dma_wait3A_78 = tpu.memref_slice %arg4[%add3A_70, %dma_wait3A_77] : memref<204800x128xf32, #tpu.memory_space<hbm>> -> memref<128x128xf32, #tpu.memory_space<hbm>>
    %dma_wait3A_79 = arith.constant 0 : i32
    %dma_wait3A_80 = arith.constant 0 : i32
    %dma_wait3A_81 = tpu.memref_slice %arg6[%dma_wait3A, %dma_wait3A_79, %dma_wait3A_80] : memref<3x128x128xf32, #tpu.memory_space<vmem>> -> memref<1x128x128xf32, #tpu.memory_space<vmem>>
    %dma_wait3A_82 = tpu.memref_squeeze %dma_wait3A_81 : memref<1x128x128xf32, #tpu.memory_space<vmem>> -> memref<128x128xf32, #tpu.memory_space<vmem>>
    tpu.wait_dma2 semaphore(%arg14 : memref<!tpu.dma_semaphore, #tpu.memory_space<semaphore_mem>>) src(%dma_wait3A_82 : memref<128x128xf32, #tpu.memory_space<vmem>>) dst(%dma_wait3A_78 : memref<128x128xf32, #tpu.memory_space<hbm>>)
    %dma_wait3A_83 = arith.constant 3 : i32
    %dma_wait3A_84 = arith.constant 3 : i32
    %dma_wait3A_85 = arith.constant 0 : i32
    %dma_wait3A_86 = arith.constant 0 : i32
    %dma_wait3A_87 = tpu.memref_slice %arg7[%dma_wait3A_83, %dma_wait3A_85, %dma_wait3A_86] : memref<4x64x128xf32, #tpu.memory_space<vmem>> -> memref<1x64x128xf32, #tpu.memory_space<vmem>>
    %dma_wait3A_88 = tpu.memref_squeeze %dma_wait3A_87 : memref<1x64x128xf32, #tpu.memory_space<vmem>> -> memref<64x128xf32, #tpu.memory_space<vmem>>
    %dma_wait3A_89 = arith.constant 0 : i32
    %dma_wait3A_90 = arith.constant 0 : i32
    %dma_wait3A_91 = tpu.memref_slice %arg8[%arg1, %dma_wait3A_84, %dma_wait3A_89, %dma_wait3A_90] : memref<16x4x64x128xf32, #tpu.memory_space<vmem_shared>> -> memref<1x1x64x128xf32, #tpu.memory_space<vmem_shared>>
    %dma_wait3A_92 = tpu.memref_squeeze %dma_wait3A_91 : memref<1x1x64x128xf32, #tpu.memory_space<vmem_shared>> -> memref<64x128xf32, #tpu.memory_space<vmem_shared>>
    %dma_wait3A_93 = arith.constant 0 : i32
    %dma_wait3A_94 = arith.constant 0 : i32
    %dma_wait3A_95 = tpu.memref_slice %arg8[%arg1, %dma_wait3A_84, %dma_wait3A_93, %dma_wait3A_94] : memref<16x4x64x128xf32, #tpu.memory_space<vmem_shared>> -> memref<1x1x64x128xf32, #tpu.memory_space<vmem_shared>>
    %dma_wait3A_96 = tpu.memref_squeeze %dma_wait3A_95 : memref<1x1x64x128xf32, #tpu.memory_space<vmem_shared>> -> memref<64x128xf32, #tpu.memory_space<vmem_shared>>
    %dma_wait3A_97 = arith.constant 0 : i32
    %dma_wait3A_98 = arith.constant 0 : i32
    %dma_wait3A_99 = tpu.memref_slice %arg7[%dma_wait3A_83, %dma_wait3A_97, %dma_wait3A_98] : memref<4x64x128xf32, #tpu.memory_space<vmem>> -> memref<1x64x128xf32, #tpu.memory_space<vmem>>
    %dma_wait3A_100 = tpu.memref_squeeze %dma_wait3A_99 : memref<1x64x128xf32, #tpu.memory_space<vmem>> -> memref<64x128xf32, #tpu.memory_space<vmem>>
    tpu.wait_dma2 semaphore(%arg22 : memref<!tpu.dma_semaphore, #tpu.memory_space<semaphore_mem>>) src(%dma_wait3A_100 : memref<64x128xf32, #tpu.memory_space<vmem>>) dst(%dma_wait3A_96 : memref<64x128xf32, #tpu.memory_space<vmem_shared>>)
    %add3A_101 = arith.constant 2496 : i32
    %add3A_102 = arith.addi %add3A_4, %add3A_101 : i32
    %dma_start3A_103 = arith.constant 3 : i32
    %dma_start3A_104 = arith.constant 0 : i32
    %dma_start3A_105 = tpu.memref_slice %arg4[%add3A_102, %dma_start3A_104] : memref<204800x128xf32, #tpu.memory_space<hbm>> -> memref<64x128xf32, #tpu.memory_space<hbm>>
    %dma_start3A_106 = arith.constant 0 : i32
    %dma_start3A_107 = arith.constant 0 : i32
    %dma_start3A_108 = tpu.memref_slice %arg8[%arg1, %dma_start3A_103, %dma_start3A_106, %dma_start3A_107] : memref<16x4x64x128xf32, #tpu.memory_space<vmem_shared>> -> memref<1x1x64x128xf32, #tpu.memory_space<vmem_shared>>
    %dma_start3A_109 = tpu.memref_squeeze %dma_start3A_108 : memref<1x1x64x128xf32, #tpu.memory_space<vmem_shared>> -> memref<64x128xf32, #tpu.memory_space<vmem_shared>>
    tpu.enqueue_dma source(%dma_start3A_109 : memref<64x128xf32, #tpu.memory_space<vmem_shared>>) target(%dma_start3A_105 : memref<64x128xf32, #tpu.memory_space<hbm>>) target_semaphore(%arg26 : memref<!tpu.dma_semaphore, #tpu.memory_space<semaphore_mem>>)
    %add3A_110 = arith.constant 2304 : i32
    %add3A_111 = arith.addi %add3A_4, %add3A_110 : i32
    %dma_wait3A_112 = arith.constant 0 : i32
    %dma_wait3A_113 = arith.constant 0 : i32
    %dma_wait3A_114 = tpu.memref_slice %arg4[%add3A_111, %dma_wait3A_113] : memref<204800x128xf32, #tpu.memory_space<hbm>> -> memref<64x128xf32, #tpu.memory_space<hbm>>
    %dma_wait3A_115 = arith.constant 0 : i32
    %dma_wait3A_116 = arith.constant 0 : i32
    %dma_wait3A_117 = tpu.memref_slice %arg8[%arg1, %dma_wait3A_112, %dma_wait3A_115, %dma_wait3A_116] : memref<16x4x64x128xf32, #tpu.memory_space<vmem_shared>> -> memref<1x1x64x128xf32, #tpu.memory_space<vmem_shared>>
    %dma_wait3A_118 = tpu.memref_squeeze %dma_wait3A_117 : memref<1x1x64x128xf32, #tpu.memory_space<vmem_shared>> -> memref<64x128xf32, #tpu.memory_space<vmem_shared>>
    tpu.wait_dma2 semaphore(%arg23 : memref<!tpu.dma_semaphore, #tpu.memory_space<semaphore_mem>>) src(%dma_wait3A_118 : memref<64x128xf32, #tpu.memory_space<vmem_shared>>) dst(%dma_wait3A_114 : memref<64x128xf32, #tpu.memory_space<hbm>>)
    %add3A_119 = arith.constant 2368 : i32
    %add3A_120 = arith.addi %add3A_4, %add3A_119 : i32
    %dma_wait3A_121 = arith.constant 1 : i32
    %dma_wait3A_122 = arith.constant 0 : i32
    %dma_wait3A_123 = tpu.memref_slice %arg4[%add3A_120, %dma_wait3A_122] : memref<204800x128xf32, #tpu.memory_space<hbm>> -> memref<64x128xf32, #tpu.memory_space<hbm>>
    %dma_wait3A_124 = arith.constant 0 : i32
    %dma_wait3A_125 = arith.constant 0 : i32
    %dma_wait3A_126 = tpu.memref_slice %arg8[%arg1, %dma_wait3A_121, %dma_wait3A_124, %dma_wait3A_125] : memref<16x4x64x128xf32, #tpu.memory_space<vmem_shared>> -> memref<1x1x64x128xf32, #tpu.memory_space<vmem_shared>>
    %dma_wait3A_127 = tpu.memref_squeeze %dma_wait3A_126 : memref<1x1x64x128xf32, #tpu.memory_space<vmem_shared>> -> memref<64x128xf32, #tpu.memory_space<vmem_shared>>
    tpu.wait_dma2 semaphore(%arg24 : memref<!tpu.dma_semaphore, #tpu.memory_space<semaphore_mem>>) src(%dma_wait3A_127 : memref<64x128xf32, #tpu.memory_space<vmem_shared>>) dst(%dma_wait3A_123 : memref<64x128xf32, #tpu.memory_space<hbm>>)
    %add3A_128 = arith.constant 2432 : i32
    %add3A_129 = arith.addi %add3A_4, %add3A_128 : i32
    %dma_wait3A_130 = arith.constant 2 : i32
    %dma_wait3A_131 = arith.constant 0 : i32
    %dma_wait3A_132 = tpu.memref_slice %arg4[%add3A_129, %dma_wait3A_131] : memref<204800x128xf32, #tpu.memory_space<hbm>> -> memref<64x128xf32, #tpu.memory_space<hbm>>
    %dma_wait3A_133 = arith.constant 0 : i32
    %dma_wait3A_134 = arith.constant 0 : i32
    %dma_wait3A_135 = tpu.memref_slice %arg8[%arg1, %dma_wait3A_130, %dma_wait3A_133, %dma_wait3A_134] : memref<16x4x64x128xf32, #tpu.memory_space<vmem_shared>> -> memref<1x1x64x128xf32, #tpu.memory_space<vmem_shared>>
    %dma_wait3A_136 = tpu.memref_squeeze %dma_wait3A_135 : memref<1x1x64x128xf32, #tpu.memory_space<vmem_shared>> -> memref<64x128xf32, #tpu.memory_space<vmem_shared>>
    tpu.wait_dma2 semaphore(%arg25 : memref<!tpu.dma_semaphore, #tpu.memory_space<semaphore_mem>>) src(%dma_wait3A_136 : memref<64x128xf32, #tpu.memory_space<vmem_shared>>) dst(%dma_wait3A_132 : memref<64x128xf32, #tpu.memory_space<hbm>>)
    %add3A_137 = arith.constant 2496 : i32
    %add3A_138 = arith.addi %add3A_4, %add3A_137 : i32
    %dma_wait3A_139 = arith.constant 3 : i32
    %dma_wait3A_140 = arith.constant 0 : i32
    %dma_wait3A_141 = tpu.memref_slice %arg4[%add3A_138, %dma_wait3A_140] : memref<204800x128xf32, #tpu.memory_space<hbm>> -> memref<64x128xf32, #tpu.memory_space<hbm>>
    %dma_wait3A_142 = arith.constant 0 : i32
    %dma_wait3A_143 = arith.constant 0 : i32
    %dma_wait3A_144 = tpu.memref_slice %arg8[%arg1, %dma_wait3A_139, %dma_wait3A_142, %dma_wait3A_143] : memref<16x4x64x128xf32, #tpu.memory_space<vmem_shared>> -> memref<1x1x64x128xf32, #tpu.memory_space<vmem_shared>>
    %dma_wait3A_145 = tpu.memref_squeeze %dma_wait3A_144 : memref<1x1x64x128xf32, #tpu.memory_space<vmem_shared>> -> memref<64x128xf32, #tpu.memory_space<vmem_shared>>
    tpu.wait_dma2 semaphore(%arg26 : memref<!tpu.dma_semaphore, #tpu.memory_space<semaphore_mem>>) src(%dma_wait3A_145 : memref<64x128xf32, #tpu.memory_space<vmem_shared>>) dst(%dma_wait3A_141 : memref<64x128xf32, #tpu.memory_space<hbm>>)
    return
  }
}

</mosaic_0001>

<sc_bundles>
// kernel: kernel.3.cloned.1.call-start
scs
__scs_entry_jumppad:
0x0: {  	(pc) =	sbr.rel $0x88, $3  }
0x1: {  	(tag) =	ssettag $0x0;
	lr =	simm.s32 $0x1  }
0x2: {  	[smem:$0x3F9F] =	sst lr;
	_ =	strace $0xD0000000  }
0x3: {  	_ = 	snop  }
0x4: {  	_ = 	snop  }
0x5: {  	_ = 	snop  }
0x6: {  	_ = 	snop  }
0x7: {  	_ = 	snop  }
__scs_overlays_trampoline_lowered:
0x8: {  	[smem:$0x3FAE] =	sst s0  }
0x9: {  	[smem:$0x3FAF] =	sst s1  }
0xa: {  	[smem:$0x3FB0] =	sst s2  }
0xb: {  	[smem:$0x3FB1] =	sst s3  }
0xc: {  	[smem:$0x3FB2] =	sst s4  }
0xd: {  	[smem:$0x3FB3] =	sst s5  }
0xe: {  	[smem:$0x3FB4] =	sst s6  }
0xf: {  	[smem:$0x3FB5] =	sst s7  }
0x10: {  	[smem:$0x3FB6] =	sst s8  }
0x11: {  	[smem:$0x3FB7] =	sst s9;
	s0 =	simm.s32 @!p0 $0x0  }
0x12: {  	s1 =	sld [smem:$0x3F9D];
	s0 =	simm.s32 @p0 $0x1  }
0x13: {  	[smem:$0x3FB8] =	sst s0;
	s0 =	simm.s32 @!p1 $0x0  }
0x14: {  	s2 =	sld [smem:$0x3F9C];
	s0 =	simm.s32 @p1 $0x1  }
0x15: {  	[smem:$0x3FB9] =	sst s0;
	s0 =	simm.s32 @!p2 $0x0  }
0x16: {  	s3 =	sld [smem:$0x3FDB];
	s0 =	simm.s32 @p2 $0x1  }
0x17: {  	s4 =	simm.s32 $0x1BF5;
	[smem:$0x3FBB] =	sst s0  }
0x18: {  	s0 =	sld [smem:$0x3F9E];
	_ =	swait.ge [sflag:s4], $0x0  }
0x19: {  	s7 =	sld [smem:$0x3F9F]  }
0x1a: {  	s8 =	sadd.s32 $0xFFFFE003, lr  }
0x1b: {  	s9 =	sadd.s32 $0xFFFFFEF7, lr;
	s5 =	simm.s32 $0xFFFFFFFF;
	p2 =	slt.u32 s8, $0xFFFFF086  }
0x1c: {  	p1 =	slt.u32 s9, $0xF7A;
	s5 =	simm.s32 @!p2 $0x0  }
0x1d: {  	s5 =	simm.s32 @p1 $0x1;
	p0 =	seq.s32 s7, s2  }
0x1e: {  	s7 =	smul.u32 @!p0 $0xF7A, s2;
	p2 =	seq.s32 @!p0 s5, $0x0  }
0x1f: {  	s9 =	smul.u32 $0xF7A, s1;
	s8 =	simm.s32 @!p0 $0x1BF5;
	p2 =	por !p2, p0  }
0x20: {  	[sflag:s8] =	ssyncset.s32 @!p0 $0xFFFFF086;
	s6 =	sadd.s32 @!p0 s3, s7;
	s7 =	simm.s32 @!p0 $0x108  }
0x21: {  	s3 =	sadd.s32 s3, s9;
	s6 =	sadd.s32 @!p0 $0x88, s6;
	s7 =	simm.s32 @p2 $0x1082  }
0x22: {  	[simem:s7], [sflag:s8] =	dma.local @!p0 [hbm:s6], $0xF7A  }
0x23: {  	s9 =	sor.u32 $0xD0000000, s2;
	s6 =	simm.s32 $0x108;
	_ =	swait.ge @!p0 [sflag:s8], $0x0  }
0x24: {  	s3 =	sadd.s32 $0x88, s3;
	s6 =	simm.s32 @!p1 $0x1082;
	[sflag:s4] =	ssyncset.s32 $0xFFFFF086  }
0x25: {  	[simem:s6], [sflag:s4] =	dma.local [hbm:s3], $0xF7A  }
0x26: {  	[smem:$0x3F9F] =	sst s1;
	(tag) =	ssettag s2;
	_ =	strace s9  }
0x27: {  	s1 =	sld [smem:$0x3FAF]  }
0x28: {  	s2 =	sld [smem:$0x3FB0]  }
0x29: {  	s4 =	sld [smem:$0x3FB2]  }
0x2a: {  	p0 =	seq.s32 s5, $0x0;
	s5 =	sld [smem:$0x3FB3]  }
0x2b: {  	s6 =	sld [smem:$0x3FB4]  }
0x2c: {  	s7 =	sld [smem:$0x3FB5]  }
0x2d: {  	s3 =	simm.s32 $0x108;
	s8 =	sld [smem:$0x3FB6]  }
0x2e: {  	s3 =	simm.s32 @!p0 $0x1082;
	s9 =	sld [smem:$0x3FB7]  }
0x2f: {  	lr =	sadd.s32 s0, s3;
	s0 =	sld [smem:$0x3FAE]  }
0x30: {  	s3 =	sld [smem:$0x3FB1]  }
0x31: {  	[smem:$0x3FBA] =	sst s10  }
0x32: {  	s10 =	sld [smem:$0x3FB8];
	_ =	sdelay $0x3  }
0x33: {  	p0 =	seq.s32 s10, $0x1;
	s10 =	sld [smem:$0x3FBA];
	_ =	sdelay $0x3  }
0x34: {  	[smem:$0x3FBA] =	sst s10  }
0x35: {  	s10 =	sld [smem:$0x3FB9];
	_ =	sdelay $0x3  }
0x36: {  	p1 =	seq.s32 s10, $0x1;
	s10 =	sld [smem:$0x3FBA];
	_ =	sdelay $0x3  }
0x37: {  	[smem:$0x3FBA] =	sst s10  }
0x38: {  	s10 =	sld [smem:$0x3FBB]  }
0x39: {  	_ = 	snop;
	(pc) =	sbr.ind lr, $3  }
0x3a: {  	_ = 	snop  }
0x3b: {  	_ = 	snop  }
0x3c: {  	p2 =	seq.s32 s10, $0x1;
	s10 =	sld [smem:$0x3FBA]  }
0x3d: {  	_ =	shalt  }
0x3e: {  	_ =	shalt  }
0x3f: {  	_ =	shalt  }
0x40: {  	_ =	shalt  }
0x41: {  	_ =	shalt  }
0x42: {  	_ =	shalt  }
0x43: {  	_ =	shalt  }
0x44: {  	_ =	shalt  }
0x45: {  	_ =	shalt  }
0x46: {  	_ =	shalt  }
0x47: {  	_ =	shalt  }
0x48: {  	_ =	shalt  }
0x49: {  	_ =	shalt  }
0x4a: {  	_ =	shalt  }
0x4b: {  	_ =	shalt  }
0x4c: {  	_ =	shalt  }
0x4d: {  	_ =	shalt  }
0x4e: {  	_ =	shalt  }
0x4f: {  	_ =	shalt  }
0x50: {  	_ =	shalt  }
0x51: {  	_ =	shalt  }
0x52: {  	_ =	shalt  }
0x53: {  	_ =	shalt  }
0x54: {  	_ =	shalt  }
0x55: {  	_ =	shalt  }
0x56: {  	_ =	shalt  }
0x57: {  	_ =	shalt  }
0x58: {  	_ =	shalt  }
0x59: {  	_ =	shalt  }
0x5a: {  	_ =	shalt  }
0x5b: {  	_ =	shalt  }
0x5c: {  	_ =	shalt  }
0x5d: {  	_ =	shalt  }
0x5e: {  	_ =	shalt  }
0x5f: {  	_ =	shalt  }
0x60: {  	_ =	shalt  }
0x61: {  	_ =	shalt  }
0x62: {  	_ =	shalt  }
0x63: {  	_ =	shalt  }
0x64: {  	_ =	shalt  }
0x65: {  	_ =	shalt  }
0x66: {  	_ =	shalt  }
0x67: {  	_ =	shalt  }
0x68: {  	_ =	shalt  }
0x69: {  	_ =	shalt  }
0x6a: {  	_ =	shalt  }
0x6b: {  	_ =	shalt  }
0x6c: {  	_ =	shalt  }
0x6d: {  	_ =	shalt  }
0x6e: {  	_ =	shalt  }
0x6f: {  	_ =	shalt  }
0x70: {  	_ =	shalt  }
0x71: {  	_ =	shalt  }
0x72: {  	_ =	shalt  }
0x73: {  	_ =	shalt  }
0x74: {  	_ =	shalt  }
0x75: {  	_ =	shalt  }
0x76: {  	_ =	shalt  }
0x77: {  	_ =	shalt  }
0x78: {  	_ =	shalt  }
0x79: {  	_ =	shalt  }
0x7a: {  	_ =	shalt  }
0x7b: {  	_ =	shalt  }
0x7c: {  	_ =	shalt  }
0x7d: {  	_ =	shalt  }
0x7e: {  	_ =	shalt  }
0x7f: {  	_ =	shalt  }
0x80: {  	_ =	shalt  }
0x81: {  	_ =	shalt  }
0x82: {  	_ =	shalt  }
0x83: {  	_ =	shalt  }
0x84: {  	_ =	shalt  }
0x85: {  	_ =	shalt  }
0x86: {  	_ =	shalt  }
0x87: {  	_ =	shalt  }
.Lfunc_end0:
.L_simem_size_0:
called_computation_lowered:
.L_overlay_start_0:
0x88: {  	s2 =	sld [smem:$0x3FD9]  }
0x89: {  	s3 =	sld [smem:$0x3FFE];
	_ =	sdelay $0x1  }
0x8a: {  	s1 =	srdreg.scid  }
0x8b: {  	s0 =	sand.u32 $0x1, s1  }
0x8c: {  	s17 =	sshll.u32 s0, $0xA;
	s2 =	sadd.s32 s3, s2  }
0x8d: {  	s2 =	sadd.s32 s2, s17  }
0x8e: {  	[smem:$0x3FC6] =	sst s2  }
0x8f: {  	_ = 	snop  }
0x90: {  	s2 =	sld [smem:$0x3FC8]  }
0x91: {  	s18 =	sld [smem:$0x3FD0];
	(tm) =	ssettm $0x1  }
0x92: {  	s4 =	sld [smem:$0x3FFB];
	_ =	sdelay $0x3  }
0x93: {  	_ =	strace s4  }
0x94: {  	s4 =	sld [smem:$0x3FFC];
	_ =	sdelay $0x3  }
0x95: {  	_ =	strace s4  }
0x96: {  	s4 =	sld [smem:$0x3FFD];
	_ =	sdelay $0x3  }
0x97: {  	_ =	strace s4  }
0x98: {  	_ =	strace $0x8FFFFFFF  }
0x99: {  	s19 =	sld [smem:$0x3FDB];
	_ =	sdelay $0x1  }
0x9a: {  	s5 =	simm.s32 $_scs_section_size  }
0x9b: {  	s6 =	simm.s32 $_size__tile_overlayer_lowered;
	s7 =	simm.s32 $_tile_overlayer_lowered  }
0x9c: {  	s22 =	simm.s32 $0x1BFF;
	s21 =	sshll.u32 s7, $0x1;
	s4 =	sadd.s32 s5, s19  }
0x9d: {  	s8 =	simm.s32 $0x0;
	s20 =	sshll.u32 s6, $0x1;
	s6 =	sadd.s32 s21, s4  }
0x9e: {  	[timem:s8], [sflag:s22] =	dma.local [hbm:s6], s20  }
0x9f: {  	_ =	swait.ge [sflag:s22], s20  }
0xa0: {  	s5 =	ssub.s32 $0x0, s20;
	[sflag:s22] =	ssyncset.done $0x0  }
0xa1: {  	[sflag:s22] =	ssyncadd.s32 s5;
	_ =	sdelay $0x1  }
0xa2: {  	s23 =	simm.s32 $0x1B8B  }
0xa3: {  	_ =	swait.ge [sflag:s23], $0x1  }
0xa4: {  	[sflag:s23] =	ssyncset.done $0x0  }
0xa5: {  	s25 =	simm.s32 $0x1B8E;
	s24 =	sld [smem:$0x3FFE];
	[sflag:s23] =	ssyncadd.s32 $0xFFFFFFFF  }
0xa6: {  	s26 =	simm.s32 $execute0_lowered;
	[smem:$0x3FD2] =	sst s25  }
0xa7: {  	s6 =	sshll.u32 s26, $0x1;
	_ =	strace $0x80000046;
	[dreg:$0x1] =	wrdreg $0xFFFFFFFF  }
0xa8: {  	s28 =	simm.s32 $_size_execute0_lowered;
	s4 =	sadd.s32 s4, s6;
	[dreg:$0x0] =	wrdreg $0x0  }
0xa9: {  	s6 =	sshll.u32 s28, $0x1;
	[dreg:$0x2] =	wrdreg s4  }
0xaa: {  	[dreg:$0x3] =	wrdreg s6  }
0xab: {  	[dreg:$0x4] =	wrdreg $0xC0  }
0xac: {  	_ =	task [dreg:s8], $0x5FFFF  }
0xad: {  	[dreg:$0x1] =	wrdreg $0xFFFFFFFF  }
0xae: {  	[dreg:$0x0] =	wrdreg $0x60  }
0xaf: {  	[dreg:$0x2] =	wrdreg s24  }
0xb0: {  	[dreg:$0x3] =	wrdreg s2  }
0xb1: {  	[dreg:$0x4] =	wrdreg s18  }
0xb2: {  	[dreg:$0x5] =	wrdreg $0x15C000  }
0xb3: {  	[dreg:$0x6] =	wrdreg $0x9  }
0xb4: {  	_ =	task.clear_ibuf [dreg:s8], $0x7FFFF;
	_ =	strace $0x90000046  }
0xb5: {  	s29 =	simm.s32 $0x9;
	_ =	strace $0x80000048  }
0xb6: {  	_ =	swait.ge [sflag:s29], $0x1  }
0xb7: {  	[sflag:s29] =	ssyncadd.s32 $0xFFFFFFFF  }
0xb8: {  	_ =	strace $0x90000048  }
0xb9: {  	_ =	sfence  }
0xba: {  	s30 =	sld [smem:$0x0];
	_ =	sdelay $0x2  }
0xbb: {  	s31 =	sshll.u32 s1, $0xD;
	s1 =	sshrl.u32 s1, $0x2  }
0xbc: {  	s3 =	sand.u32 $0x4000, s31;
	s1 =	sadd.s32 s1, s30  }
0xbd: {  	s0 =	sor.u32 s3, s0;
	s1 =	sshll.u32 s1, $0x11  }
0xbe: {  	s0 =	sor.u32 s1, s0  }
0xbf: {  	s0 =	sadd.s32 $0x8F2B, s0  }
0xc0: {  	[sflag:s0] =	ssyncadd.remote.s32 $0x1  }
0xc1: {  	_ =	sfence.sel $0xFFFF  }
0xc2: {  	[dreg:$0x0] =	wrdreg $0xFFFFFFFF;
	(pc) =	sbr.abs _section_cstart, $3  }
0xc3: {  	[dreg:$0x1] =	wrdreg $0xFFFFFFFF  }
0xc4: {  	_ =	task.clear_ibuf [dreg:s8], $0x2FFFF;
	_ =	strace $0x9FFFFFFF  }
0xc5: {  	(tm) =	ssettm $0x7FFFFFFF  }
tec
execute0_lowered:
.L_overlay_start_1:
0x0: {  	(tag) =	ssettag $0x1  }
0x1: {  	s0 =	rddreg [dreg:$0x0]  }
0x2: {  	s1 =	rddreg [dreg:$0x1];
	s2 =	srdreg.scid  }
0x3: {  	s10 =	stileid.u32;
	s3 =	rddreg [dreg:$0x2]  }
0x4: {  	s5 =	rddreg [dreg:$0x3];
	s17 =	simm.s32 $0x0;
	s29 =	simm.s32 $0x2  }
0x5: {  	s30 =	simm.s32 $0x4;
	s31 =	simm.s32 $0x3;
	s13 =	simm.s32 $0xC  }
0x6: {  	s14 =	simm.s32 $0xA;
	s12 =	simm.s32 $0xD;
	s9 =	smul.u32 $0x190000, s10  }
0x7: {  	s2 =	sand.u32 $0x1, s2;
	s4 =	sshll.u32 s10, $0x1;
	s23 =	smul.u32 $0x32000, s10  }
0x8: {  	[smem:$0x7FF] =	sst s17;
	s6 =	sor.u32 s2, s4;
	s22 =	smul.u32 $0xC8000, s2  }
0x9: {  	s19 =	sshll.u32 s10, $0xF;
	s8 =	ssub.s32 $0x2, s2;
	s7 =	smul.u32 $0x380, s6  }
0xa: {  	_ =	strace $0x80000047;
	s18 =	sshrl.u32 s8, $0x1;
	s6 =	smul.u32 $0xC8000, s6  }
0xb: {  	s2 =	smul.u32 $0x19000, s2;
	s8 =	ssub.s32 s8, s18;
	s0 =	sadd.s32 s7, s0  }
0xc: {  	s20 =	sshrl.u32 s6, $0x3;
	s6 =	sadd.s32 s19, s5;
	s24 =	smax.u32 s8, $0x1  }
0xd: {  	s5 =	sadd.s32 s22, s9;
	s19 =	simm.s32 $0x40;
	s8 =	simm.s32 $0x9  }
0xe: {  	s9 =	simm.s32 $0x0;
	s0 =	sadd.s32 $0x400, s0;
	s21 =	sadd.s32 s3, s20  }
0xf: {  	s7 =	sadd.s32 $0x6000, s6;
	[dreg:$0x7] =	wrdreg s24;
	s10 =	sadd.s32 $0x2000, s6  }
0x10: {  	s11 =	sadd.s32 $0x4000, s6;
	s25 =	sor.u32 $0x4000, s5;
	s28 =	sadd.s32 $0x8000, s5  }
.Ltmp0:
0x11: {  	[dreg:$0x5] =	wrdreg s0;
	s0 =	sadd.s32 $0x18C00, s21;
	(pc) =	sbr.rel .LBB2_1-.Ltmp0, $4  }
0x12: {  	s20 =	simm.s32 $0x7;
	s26 =	sshrl.u32 s25, $0x3;
	[dreg:$0x6] =	wrdreg s0  }
0x13: {  	s24 =	simm.s32 $0x8;
	s0 =	sadd.s32 s2, s23;
	[dreg:$0x9] =	wrdreg s26  }
0x14: {  	s5 =	simm.s32 $0xB;
	[dreg:$0x8] =	wrdreg s0;
	s0 =	sshrl.u32 s28, $0x3  }
0x15: {  	s26 =	simm.s32 $0x1;
	s2 =	simm.s32 $0x5;
	[dreg:$0xa] =	wrdreg s0  }
.LBB2_12:
0x16: {  	s0 =	simm.s32 $0x6  }
0x17: {  	_ =	swait.ge [sflag:s0], $0x4000  }
0x18: {  	[sflag:s0] =	ssyncset.done $0x0  }
0x19: {  	s16 =	simm.s32 $0xE;
	[sflag:s0] =	ssyncadd.s32 $0xFFFFC000  }
0x1a: {  	_ =	swait.ge [sflag:s16], $0x2000  }
0x1b: {  	s17 =	sor.u32 $0x1C12, s28;
	s4 =	sshrl.u32 s7, $0x3;
	[sflag:s16] =	ssyncset.done $0x0  }
0x1c: {  	s18 =	simm.s32 $0xF;
	s9 =	rddreg [dreg:$0x6];
	[sflag:s16] =	ssyncadd.s32 $0xFFFFE000  }
0x1d: {  	[hbm:s9], [sflag:s17] =	dma.local [spmem:s4], $0x400  }
0x1e: {  	_ =	swait.ge [sflag:s18], $0x400  }
0x1f: {  	[sflag:s18] =	ssyncset.done $0x0  }
0x20: {  	s21 =	simm.s32 $0x10;
	[sflag:s18] =	ssyncadd.s32 $0xFFFFFC00  }
0x21: {  	_ =	swait.ge [sflag:s21], $0x400  }
0x22: {  	[sflag:s21] =	ssyncset.done $0x0  }
0x23: {  	s22 =	simm.s32 $0x11;
	[sflag:s21] =	ssyncadd.s32 $0xFFFFFC00  }
0x24: {  	_ =	swait.ge [sflag:s22], $0x400  }
0x25: {  	[sflag:s22] =	ssyncset.done $0x0  }
0x26: {  	s23 =	simm.s32 $0x12;
	[sflag:s22] =	ssyncadd.s32 $0xFFFFFC00  }
0x27: {  	_ =	swait.ge [sflag:s23], $0x400  }
0x28: {  	s25 =	rddreg [dreg:$0xb]  }
0x29: {  	s28 =	rddreg [dreg:$0x7];
	s9 =	sadd.s32 $0x1, s25  }
0x2a: {  	p0 =	sne.s32 s9, s28  }
.Ltmp1:
0x2b: {  	_ = 	snop;
	(pc) =	sbr.rel @!p0 .LBB2_13-.Ltmp1, $3  }
0x2c: {  	_ =	sdelay $0x1  }
0x2d: {  	[sflag:s23] =	ssyncset.done $0x0  }
0x2e: {  	[sflag:s23] =	ssyncadd.s32 $0xFFFFFC00  }
.LBB2_1:
0x2f: {  	[dreg:$0xb] =	wrdreg s9  }
0x30: {  	s0 =	simm.s32 $0x0;
	s4 =	rddreg [dreg:$0x5];
	s9 =	simm.s32 $0x13  }
0x31: {  	[tilespmem:s0], [sflag:$0x13] =	stream.linear.gather [hbm4b:s4+s0], $0x1900, $0x38;
	[tilespmem:$0x1DC00] =	vst v63  }
0x32: {  	_ =	swait.ge [sflag:s9], $0x1900  }
0x33: {  	s15 =	simm.s32 $0x80;
	[sflag:s9] =	ssyncset.done $0x0  }
0x34: {  	s16 =	simm.s32 $0x1C00;
	s17 =	simm.s32 $0x5C00;
	[sflag:s9] =	ssyncadd.s32 $0xFFFFE700  }
0x35: {  	[tilespmem:s16], [sflag:$0x1] =	stream.indirect.gather [hbm4b:s1+s15], $0x80, s0, s15, $0xb8;
	[tilespmem:$0x1DC00] =	vst v63  }
0x36: {  	s18 =	simm.s32 $0xF00;
	s21 =	simm.s32 $0xDC00;
	s0 =	rddreg [dreg:$0x8]  }
0x37: {  	[tilespmem:s17], [sflag:$0x2] =	stream.indirect.gather [hbm4b:s1+s15], $0x80, s15, s15, $0xb8;
	[tilespmem:$0x1DC00] =	vst v63  }
0x38: {  	s22 =	simm.s32 $0xF40;
	s23 =	simm.s32 $0xFC00;
	s16 =	rddreg [dreg:$0x9]  }
0x39: {  	[tilespmem:s21], [sflag:$0x7] =	stream.indirect.gather [hbm4b:s1+s19], $0x80, s18, s19, $0xb8;
	[tilespmem:$0x1DC00] =	vst v63  }
0x3a: {  	s25 =	simm.s32 $0xF80;
	s28 =	simm.s32 $0x11C00;
	s17 =	rddreg [dreg:$0xa]  }
0x3b: {  	[tilespmem:s23], [sflag:$0x8] =	stream.indirect.gather [hbm4b:s1+s19], $0x80, s22, s19, $0xb8;
	[tilespmem:$0x1DC00] =	vst v63  }
0x3c: {  	s21 =	simm.s32 $0xFFFFCA00;
	s18 =	smov.u32 s0;
	s23 =	simm.s32 $0x0  }
0x3d: {  	[tilespmem:s28], [sflag:$0x9] =	stream.indirect.gather [hbm4b:s1+s19], $0x80, s25, s19, $0xb8;
	[tilespmem:$0x1DC00] =	vst v63  }
.LBB2_2:
0x3e: {  	_ =	swait.ge [sflag:s26], $0x4000  }
0x3f: {  	s22 =	sadd.s32 s18, s3;
	s9 =	simm.s32 $0x0;
	[sflag:s26] =	ssyncset.done $0x0  }
0x40: {  	s4 =	simm.s32 $0x1C00;
	p1 =	seq.s32 s23, $0x0;
	[sflag:s26] =	ssyncadd.s32 $0xFFFFC000  }
0x41: {  	[hbm4b:s22+s9] =	stream.linear.scatter [tilespmem:s4], [sflag:$0x4], $0x4000, $0x38;
	[tilespmem:$0x1DC00] =	vst v63  }
0x42: {  	s22 =	simm.s32 @!p1 $0x6  }
0x43: {  	_ =	swait.ge @!p1 [sflag:s22], $0x4000  }
0x44: {  	s25 =	sshra.s32 s21, $0x2;
	s15 =	simm.s32 $0x9C00;
	[sflag:s22] =	ssyncset.done @!p1 $0x0  }
0x45: {  	s4 =	sadd.s32 $0xE80, s25;
	s25 =	simm.s32 $0x80;
	[sflag:s22] =	ssyncadd.s32 @!p1 $0xFFFFC000  }
0x46: {  	[tilespmem:s15], [sflag:$0x3] =	stream.indirect.gather [hbm4b:s1+s25], $0x80, s4, s25, $0xb8;
	[tilespmem:$0x1DC00] =	vst v63  }
0x47: {  	_ =	swait.ge [sflag:s29], $0x4000  }
0x48: {  	[sflag:s29] =	ssyncset.done $0x0  }
0x49: {  	s4 =	sadd.s32 s16, s3;
	s25 =	simm.s32 $0x5C00;
	[sflag:s29] =	ssyncadd.s32 $0xFFFFC000  }
0x4a: {  	[hbm4b:s4+s9] =	stream.linear.scatter [tilespmem:s25], [sflag:$0x5], $0x4000, $0x38;
	[tilespmem:$0x1DC00] =	vst v63  }
0x4b: {  	p0 =	seq.s32 s23, $0x2400;
	_ =	swait.ge [sflag:s30], $0x4000  }
0x4c: {  	s28 =	simm.s32 @!p0 $0x80;
	s22 =	sshra.s32 @!p0 s21, $0x2;
	[sflag:s30] =	ssyncset.done $0x0  }
0x4d: {  	s25 =	sadd.s32 @!p0 $0xF00, s22;
	s4 =	simm.s32 @!p0 $0x1C00;
	[sflag:s30] =	ssyncadd.s32 $0xFFFFC000  }
0x4e: {  	[tilespmem:s4], [sflag:$0x1] =	stream.indirect.gather @!p0 [hbm4b:s1+s28], $0x80, s25, s28, $0xb8;
	[tilespmem:$0x1DC00] =	vst v63  }
0x4f: {  	_ =	swait.ge [sflag:s31], $0x4000  }
0x50: {  	[sflag:s31] =	ssyncset.done $0x0  }
0x51: {  	s25 =	sadd.s32 s17, s3;
	[sflag:s31] =	ssyncadd.s32 $0xFFFFC000  }
0x52: {  	[hbm4b:s25+s9] =	stream.linear.scatter [tilespmem:s15], [sflag:$0x6], $0x4000, $0x38;
	[tilespmem:$0x1DC00] =	vst v63  }
0x53: {  	_ =	swait.ge [sflag:s2], $0x4000  }
0x54: {  	[sflag:s2] =	ssyncset.done $0x0  }
0x55: {  	s4 =	sadd.s32 @!p0 $0xF80, s22;
	s22 =	simm.s32 @!p0 $0x5C00;
	[sflag:s2] =	ssyncadd.s32 $0xFFFFC000  }
0x56: {  	[tilespmem:s22], [sflag:$0x2] =	stream.indirect.gather @!p0 [hbm4b:s1+s28], $0x80, s4, s28, $0xb8;
	[tilespmem:$0x1DC00] =	vst v63  }
0x57: {  	_ =	swait.ge [sflag:s20], $0x2000  }
0x58: {  	p2 =	sne.s32 s23, $0x0;
	[sflag:s20] =	ssyncset.done $0x0  }
0x59: {  	s4 =	simm.s32 @p2 $0xF;
	[sflag:s20] =	ssyncadd.s32 $0xFFFFE000  }
0x5a: {  	_ =	swait.ge @p2 [sflag:s4], $0x400  }
0x5b: {  	[sflag:s4] =	ssyncset.done @p2 $0x0  }
0x5c: {  	[sflag:s4] =	ssyncadd.s32 @p2 $0xFFFFFC00;
	s4 =	simm.s32 @p2 $0xDC00  }
0x5d: {  	[spmem:s6] =	stream.linear.scatter @p2 [tilespmem:s4], [sflag:$0xB], $0x2000, $0x38;
	[tilespmem:$0x1DC00] =	vst v63  }
0x5e: {  	s4 =	simm.s32 @p2 $0xE  }
0x5f: {  	_ =	swait.ge @p2 [sflag:s4], $0x2000  }
0x60: {  	s9 =	stileid.u32;
	[sflag:s4] =	ssyncset.done @p2 $0x0  }
0x61: {  	s22 =	sshll.u32 @p2 s9, $0x6;
	[sflag:s4] =	ssyncadd.s32 @p2 $0xFFFFE000;
	s4 =	sadd.s32 @p2 s0, s3  }
0x62: {  	s25 =	sshrl.u32 @p2 s7, $0x3;
	s22 =	sor.u32 @p2 $0x1C12, s22;
	s4 =	sadd.s32 @p2 $0xEC00, s4  }
0x63: {  	[hbm:s4], [sflag:s22] =	dma.local @p2 [spmem:s25], $0x400  }
0x64: {  	s4 =	simm.s32 @!p2 $0xDC00;
	s25 =	sshra.s32 s23, $0x2  }
0x65: {  	[spmem:s6] =	stream.linear.scatter @!p2 [tilespmem:s4], [sflag:$0xB], $0x2000, $0x38;
	[tilespmem:$0x1DC00] =	vst v63  }
0x66: {  	s22 =	simm.s32 $0x13C00;
	s15 =	sadd.s32 $0xFC0, s25  }
0x67: {  	[tilespmem:s22], [sflag:$0xA] =	stream.indirect.gather [hbm4b:s1+s19], $0x80, s15, s19, $0xb8;
	[tilespmem:$0x1DC00] =	vst v63  }
0x68: {  	_ =	swait.ge [sflag:s24], $0x2000  }
0x69: {  	[sflag:s24] =	ssyncset.done $0x0  }
0x6a: {  	s4 =	simm.s32 @!p1 $0x10;
	[sflag:s24] =	ssyncadd.s32 $0xFFFFE000  }
0x6b: {  	_ =	swait.ge @!p1 [sflag:s4], $0x400  }
0x6c: {  	[sflag:s4] =	ssyncset.done @!p1 $0x0  }
0x6d: {  	p2 =	sne.s32 s23, $0x2400;
	s22 =	simm.s32 $0xFC00;
	[sflag:s4] =	ssyncadd.s32 @!p1 $0xFFFFFC00  }
0x6e: {  	[spmem:s10] =	stream.linear.scatter [tilespmem:s22], [sflag:$0xC], $0x2000, $0x38;
	[tilespmem:$0x1DC00] =	vst v63  }
.Ltmp2:
0x6f: {  	_ = 	snop;
	(pc) =	sbr.rel @p2 .LBB2_4-.Ltmp2, $4  }
0x70: {  	s28 =	sshll.u32 s9, $0x6;
	_ =	swait.ge [sflag:s5], $0x2000  }
0x71: {  	s9 =	sor.u32 $0x1C0F, s28;
	s22 =	sadd.s32 s0, s3;
	[sflag:s5] =	ssyncset.done $0x0  }
0x72: {  	s15 =	sshrl.u32 s6, $0x3;
	s4 =	sadd.s32 $0xF000, s22;
	[sflag:s5] =	ssyncadd.s32 $0xFFFFE000  }
0x73: {  	[hbm:s4], [sflag:s9] =	dma.local [spmem:s15], $0x400  }
.Ltmp3:
0x74: {  	(pc) =	sbr.rel .LBB2_5-.Ltmp3, $4  }
0x75: {  	_ = 	snop  }
0x76: {  	_ =	swait.ge [sflag:s8], $0x2000  }
0x77: {  	[sflag:s8] =	ssyncset.done $0x0  }
0x78: {  	[sflag:s8] =	ssyncadd.s32 $0xFFFFE000  }
.LBB2_4:
.Ltmp4:
0x79: {  	s4 =	sadd.s32 $0x1000, s25;
	s9 =	simm.s32 $0xDC00;
	(pc) =	sbr.rel @p1 .LBB2_6-.Ltmp4, $4  }
0x7a: {  	[tilespmem:s9], [sflag:$0x7] =	stream.indirect.gather [hbm4b:s1+s19], $0x80, s4, s19, $0xb8;
	[tilespmem:$0x1DC00] =	vst v63  }
0x7b: {  	_ =	swait.ge [sflag:s8], $0x2000  }
0x7c: {  	[sflag:s8] =	ssyncset.done $0x0  }
0x7d: {  	[sflag:s8] =	ssyncadd.s32 $0xFFFFE000  }
.LBB2_5:
0x7e: {  	s4 =	simm.s32 $0x11  }
0x7f: {  	_ =	swait.ge [sflag:s4], $0x400  }
0x80: {  	[sflag:s4] =	ssyncset.done $0x0  }
0x81: {  	[sflag:s4] =	ssyncadd.s32 $0xFFFFFC00  }
.LBB2_6:
0x82: {  	s4 =	simm.s32 $0x11C00  }
0x83: {  	[spmem:s11] =	stream.linear.scatter [tilespmem:s4], [sflag:$0xD], $0x2000, $0x38;
	[tilespmem:$0x1DC00] =	vst v63  }
.Ltmp5:
0x84: {  	_ = 	snop;
	(pc) =	sbr.rel @p2 .LBB2_8-.Ltmp5, $4  }
0x85: {  	_ =	swait.ge [sflag:s13], $0x2000  }
0x86: {  	s9 =	sor.u32 $0x1C10, s28;
	[sflag:s13] =	ssyncset.done $0x0  }
0x87: {  	s15 =	sshrl.u32 s10, $0x3;
	s4 =	sadd.s32 $0xF400, s22;
	[sflag:s13] =	ssyncadd.s32 $0xFFFFE000  }
0x88: {  	[hbm:s4], [sflag:s9] =	dma.local [spmem:s15], $0x400  }
.Ltmp6:
0x89: {  	(pc) =	sbr.rel .LBB2_9-.Ltmp6, $4  }
0x8a: {  	_ = 	snop  }
0x8b: {  	_ =	swait.ge [sflag:s14], $0x2000  }
0x8c: {  	[sflag:s14] =	ssyncset.done $0x0  }
0x8d: {  	[sflag:s14] =	ssyncadd.s32 $0xFFFFE000  }
.LBB2_8:
.Ltmp7:
0x8e: {  	s4 =	sadd.s32 $0x1040, s25;
	s9 =	simm.s32 $0xFC00;
	(pc) =	sbr.rel @p1 .LBB2_10-.Ltmp7, $4  }
0x8f: {  	[tilespmem:s9], [sflag:$0x8] =	stream.indirect.gather [hbm4b:s1+s19], $0x80, s4, s19, $0xb8;
	[tilespmem:$0x1DC00] =	vst v63  }
0x90: {  	_ =	swait.ge [sflag:s14], $0x2000  }
0x91: {  	[sflag:s14] =	ssyncset.done $0x0  }
0x92: {  	[sflag:s14] =	ssyncadd.s32 $0xFFFFE000  }
.LBB2_9:
0x93: {  	s4 =	simm.s32 $0x12  }
0x94: {  	_ =	swait.ge [sflag:s4], $0x400  }
0x95: {  	[sflag:s4] =	ssyncset.done $0x0  }
0x96: {  	[sflag:s4] =	ssyncadd.s32 $0xFFFFFC00  }
.LBB2_10:
0x97: {  	s4 =	simm.s32 $0x13C00  }
0x98: {  	[spmem:s7] =	stream.linear.scatter [tilespmem:s4], [sflag:$0xE], $0x2000, $0x38;
	[tilespmem:$0x1DC00] =	vst v63  }
.Ltmp8:
0x99: {  	_ = 	snop;
	(pc) =	sbr.rel @p0 .LBB2_12-.Ltmp8, $4  }
0x9a: {  	_ =	swait.ge [sflag:s12], $0x2000  }
0x9b: {  	s22 =	sadd.s32 $0xF800, s22;
	[sflag:s12] =	ssyncset.done $0x0  }
0x9c: {  	s9 =	sor.u32 $0x1C11, s28;
	s15 =	sshrl.u32 s11, $0x3;
	[sflag:s12] =	ssyncadd.s32 $0xFFFFE000  }
0x9d: {  	[hbm:s22], [sflag:s9] =	dma.local [spmem:s15], $0x400  }
.Ltmp9:
0x9e: {  	(pc) =	sbr.rel .LBB2_2-.Ltmp9, $4  }
0x9f: {  	s4 =	sadd.s32 $0x1080, s25;
	s9 =	simm.s32 $0x11C00  }
0xa0: {  	s0 =	sadd.s32 $0x1000, s0;
	s21 =	sadd.s32 $0x600, s21;
	s23 =	sadd.s32 $0x400, s23  }
0xa1: {  	s16 =	sadd.s32 $0x1800, s16;
	s18 =	sadd.s32 $0x1800, s18;
	s17 =	sadd.s32 $0x1800, s17  }
0xa2: {  	[tilespmem:s9], [sflag:$0x9] =	stream.indirect.gather [hbm4b:s1+s19], $0x80, s4, s19, $0xb8;
	[tilespmem:$0x1DC00] =	vst v63  }
.LBB2_13:
0xa3: {  	_ =	sfence.sel $0x180000  }
0xa4: {  	[bflag:$0x0] =	sbarrier.arrive $0xFFFF  }
0xa5: {  	_ =	strace $0x90000047  }
0xa6: {  	s0 =	stileid.u32;
	[bflag:$0x2] =	sbarrier.arrive $0xFFFF  }
0xa7: {  	p0 =	sne.s32 s0, $0x0;
	s0 =	rddreg [dreg:$0x4]  }
0xa8: {  	s0 =	sadd.s32 @!p0 $0x100000, s0  }
0xa9: {  	[sflag:s0] =	ssyncadd.tile.s32 @!p0 $0x1;
	_ =	shalt  }
.Lfunc_end2:
_tile_overlayer_lowered:
.L_overlay_start_2:
0xaa: {  	(tag) =	ssettag $0x2  }
0xab: {  	s0 =	rddreg [dreg:$0x0];
	s2 =	stileid.u32  }
0xac: {  	s1 =	rddreg [dreg:$0x1];
	p0 =	sne.s32 s2, $0x0  }
0xad: {  	s3 =	rddreg [dreg:$0x2];
	[bflag:$0x3] =	sbarrier.arrive $0xFFFF;
	s2 =	simm.s32 @!p0 $0x1C13  }
0xae: {  	[timem:s3], [sflag:s2] =	dma.local @!p0 [hbm:s0], s1  }
0xaf: {  	s0 =	simm.s32 @!p0 $0x13  }
0xb0: {  	_ =	swait.ge @!p0 [sflag:s0], s1  }
0xb1: {  	s1 =	ssub.s32 @!p0 $0x0, s1;
	[sflag:s0] =	ssyncset.done @!p0 $0x0  }
0xb2: {  	[sflag:s0] =	ssyncadd.s32 @!p0 s1  }
0xb3: {  	[bflag:$0x3] =	sbarrier.arrive $0xFFFF  }
0xb4: {  	_ =	shalt  }

</sc_bundles>
